<compile_context>
chip_gen: v7x
topology: tpu7x:2x2x1
jax: 0.10.2.dev20260603
libtpu: 0.0.44.dev20260713+nightly
codegen_flags: <defaults>
</compile_context>

<pallas_src>
import functools

import jax
import jax.numpy as jnp
from jax import lax
from jax.experimental import pallas as pl
from jax.experimental.pallas import tpu as pltpu
from jax.experimental.pallas import tpu_sc as plsc

_LANES = 16


@functools.lru_cache(maxsize=None)
def _build(batch, nbits):
    info = plsc.get_sparse_core_info()
    num_cores, num_subcores = info.num_cores, info.num_subcores
    nw = num_cores * num_subcores
    syms = nbits // 10
    assert batch % (2 * nw) == 0
    rows_per_w = batch // nw
    groups = syms // _LANES

    mesh = plsc.VectorSubcoreMesh(core_axis_name="c", subcore_axis_name="s")

    @functools.partial(
        pl.kernel,
        mesh=mesh,
        out_type=jax.ShapeDtypeStruct((batch, 2, syms), jnp.float32),
        compiler_params=pltpu.CompilerParams(needs_layout_passes=False),
        scratch_types=[
            pltpu.VMEM((nbits,), jnp.int32),
            pltpu.VMEM((nbits,), jnp.int32),
            pltpu.VMEM((2, syms), jnp.float32),
            pltpu.VMEM((2, syms), jnp.float32),
            pltpu.VMEM((2048,), jnp.float32),
            pltpu.SemaphoreType.DMA,
            pltpu.SemaphoreType.DMA,
            pltpu.SemaphoreType.DMA,
            pltpu.SemaphoreType.DMA,
        ],
    )
    def qam_kernel(bits_hbm, const_hbm, out_hbm, bits_v0, bits_v1, out_v0,
                   out_v1, const_v, in_sem0, in_sem1, out_sem0, out_sem1):
        wid = lax.axis_index("s") * num_cores + lax.axis_index("c")
        row0 = wid * rows_per_w
        pltpu.sync_copy(const_hbm, const_v)
        ten_iota = lax.iota(jnp.int32, _LANES) * 10

        bits_bufs = (bits_v0, bits_v1)
        out_bufs = (out_v0, out_v1)
        in_sems = (in_sem0, in_sem1)
        out_sems = (out_sem0, out_sem1)

        def compute_row(bits_v, out_v):
            @plsc.parallel_loop(0, groups, unroll=4)
            def _grp(g):
                idx0 = ten_iota + g * (10 * _LANES)
                full = plsc.load_gather(bits_v, [idx0])
                for j in range(1, 10):
                    bj = plsc.load_gather(bits_v, [idx0 + j])
                    full = full * 2 + bj
                re = plsc.load_gather(const_v, [full * 2])
                im = plsc.load_gather(const_v, [full * 2 + 1])
                out_v[0, pl.ds(g * _LANES, _LANES)] = re
                out_v[1, pl.ds(g * _LANES, _LANES)] = im

        pltpu.async_copy(bits_hbm.at[row0], bits_v0, in_sem0)
        pltpu.async_copy(bits_hbm.at[row0 + 1], bits_v1, in_sem1)

        def pair_body(p, carry):
            for b in range(2):
                r = 2 * p + b
                row = row0 + r
                pltpu.make_async_copy(
                    bits_hbm.at[row], bits_bufs[b], in_sems[b]).wait()

                @pl.when(p > 0)
                def _():
                    pltpu.make_async_copy(
                        out_bufs[b], out_hbm.at[row - 2], out_sems[b]).wait()

                compute_row(bits_bufs[b], out_bufs[b])

                @pl.when(r + 2 < rows_per_w)
                def _():
                    pltpu.async_copy(
                        bits_hbm.at[row + 2], bits_bufs[b], in_sems[b])

                pltpu.async_copy(out_bufs[b], out_hbm.at[row], out_sems[b])
            return carry

        lax.fori_loop(0, rows_per_w // 2, pair_body, 0)

        last = row0 + rows_per_w
        pltpu.make_async_copy(out_v0, out_hbm.at[last - 2], out_sem0).wait()
        pltpu.make_async_copy(out_v1, out_hbm.at[last - 1], out_sem1).wait()

    return qam_kernel


def kernel(bits, constellation):
    bits = bits.astype(jnp.int32)
    batch, nbits = bits.shape
    const_flat = constellation.astype(jnp.float32).reshape(-1)
    return _build(batch, nbits)(bits, const_flat)

# --- scband reference (transcript-rebuilt; emitter-appended) ---
"""Pipeline reference for scband-qam1024-modulator-31258771980922 (READ-ONLY COPY).

The authoritative reference and input builder live on the scoring server;
editing this copy changes nothing except your own understanding.
"""

import jax, jax.numpy as jnp
import numpy as np


def _constellation():
    vals = (2.0 * np.arange(32) - 31.0) / np.sqrt(341.3333)
    real, imag = np.meshgrid(vals, vals, indexing='ij')
    pts = np.stack([real, imag], axis=-1).reshape(-1, 2)
    return jnp.asarray(pts, dtype=jnp.float32)


def setup_inputs(seed: int = 0) -> dict:
    key = jax.random.key(seed)
    bits = jax.random.randint(key, (4096, 20480), 0, 2, dtype=jnp.int64)
    constellation = _constellation()
    return {"bits": bits, "constellation": constellation}


def reference(bits, constellation):
    batch_size = bits.shape[0]
    num_symbols = bits.shape[1] // 10
    b = bits.reshape(batch_size, num_symbols, 10)
    weights = (2 ** (9 - jnp.arange(10))).astype(bits.dtype)
    indices = jnp.sum(b * weights, axis=-1)
    modulated = jnp.take(constellation, indices, axis=0)  # [B, S, 2]
    return jnp.transpose(modulated, (0, 2, 1))

if __name__ == "__main__":
    import jax
    _d = setup_inputs()
    print(jax.jit(kernel)(*tuple(_d.values())))

</pallas_src>

<mosaic_0001>
#map = affine_map<(d0, d1) -> (0, 0)>
#map1 = affine_map<(d0, d1) -> (0)>
#map2 = affine_map<(d0, d1) -> (0, 0, 0)>
module attributes {stable_mosaic.version = 14 : i64} {
  func.func @qam_kernel(%arg0: i32, %arg1: i32, %arg2: memref<4096x20480xi32, #tpu.memory_space<hbm>>, %arg3: memref<2048xf32, #tpu.memory_space<hbm>>, %arg4: memref<4096x2x2048xf32, #tpu.memory_space<hbm>>, %arg5: memref<20480xi32, #tpu.memory_space<vmem>>, %arg6: memref<20480xi32, #tpu.memory_space<vmem>>, %arg7: memref<2x2048xf32, #tpu.memory_space<vmem>>, %arg8: memref<2x2048xf32, #tpu.memory_space<vmem>>, %arg9: memref<2048xf32, #tpu.memory_space<vmem>>, %arg10: memref<!tpu.dma_semaphore, #tpu.memory_space<semaphore_mem>>, %arg11: memref<!tpu.dma_semaphore, #tpu.memory_space<semaphore_mem>>, %arg12: memref<!tpu.dma_semaphore, #tpu.memory_space<semaphore_mem>>, %arg13: memref<!tpu.dma_semaphore, #tpu.memory_space<semaphore_mem>>) attributes {dimension_semantics = [#tpu.dimension_semantics<core_parallel>, #tpu.dimension_semantics<subcore_parallel>], iteration_bounds = array<i64: 2, 16>, scalar_prefetch = 0 : i64, scratch_operands = 9 : i64, tpu.core_type = #tpu.core_type<sc_vector_subcore>, window_params = [{transform_indices = #map}, {transform_indices = #map1}, {transform_indices = #map2}]} {
    %mul3A = arith.constant 2 : i32
    %mul3A_0 = arith.muli %arg1, %mul3A : i32
    %add3A = arith.addi %mul3A_0, %arg0 : i32
    %mul3A_1 = arith.constant 128 : i32
    %mul3A_2 = arith.muli %add3A, %mul3A_1 : i32
    "tpu.region"() ({
      %run_scoped3A = tpu.sem_alloc : memref<!tpu.dma_semaphore, #tpu.memory_space<semaphore_mem>>
      tpu.enqueue_dma source(%arg3 : memref<2048xf32, #tpu.memory_space<hbm>>) target(%arg9 : memref<2048xf32, #tpu.memory_space<vmem>>) target_semaphore(%run_scoped3A : memref<!tpu.dma_semaphore, #tpu.memory_space<semaphore_mem>>)
      tpu.wait_dma2 semaphore(%run_scoped3A : memref<!tpu.dma_semaphore, #tpu.memory_space<semaphore_mem>>) src(%arg3 : memref<2048xf32, #tpu.memory_space<hbm>>) dst(%arg9 : memref<2048xf32, #tpu.memory_space<vmem>>)
      tpu.yield
    }) : () -> ()
    %iota3A = tpu.iota {dimensions = array<i32: 0>} : vector<16xi32>
    %mul3A_3 = arith.constant 10 : i32
    %mul3A_4 = vector.broadcast %mul3A_3 : i32 to vector<16xi32>
    %mul3A_5 = arith.muli %iota3A, %mul3A_4 : vector<16xi32>
    %dma_start3A = arith.constant 0 : i32
    %dma_start3A_6 = tpu.memref_slice %arg2[%mul3A_2, %dma_start3A] : memref<4096x20480xi32, #tpu.memory_space<hbm>> -> memref<1x20480xi32, #tpu.memory_space<hbm>>
    %dma_start3A_7 = tpu.memref_squeeze %dma_start3A_6 : memref<1x20480xi32, #tpu.memory_space<hbm>> -> memref<20480xi32, #tpu.memory_space<hbm>>
    %dma_start3A_8 = arith.constant 0 : i32
    %dma_start3A_9 = tpu.memref_slice %arg2[%mul3A_2, %dma_start3A_8] : memref<4096x20480xi32, #tpu.memory_space<hbm>> -> memref<1x20480xi32, #tpu.memory_space<hbm>>
    %dma_start3A_10 = tpu.memref_squeeze %dma_start3A_9 : memref<1x20480xi32, #tpu.memory_space<hbm>> -> memref<20480xi32, #tpu.memory_space<hbm>>
    tpu.enqueue_dma source(%dma_start3A_10 : memref<20480xi32, #tpu.memory_space<hbm>>) target(%arg5 : memref<20480xi32, #tpu.memory_space<vmem>>) target_semaphore(%arg10 : memref<!tpu.dma_semaphore, #tpu.memory_space<semaphore_mem>>)
    %add3A_11 = arith.constant 1 : i32
    %add3A_12 = arith.addi %mul3A_2, %add3A_11 : i32
    %dma_start3A_13 = arith.constant 0 : i32
    %dma_start3A_14 = tpu.memref_slice %arg2[%add3A_12, %dma_start3A_13] : memref<4096x20480xi32, #tpu.memory_space<hbm>> -> memref<1x20480xi32, #tpu.memory_space<hbm>>
    %dma_start3A_15 = tpu.memref_squeeze %dma_start3A_14 : memref<1x20480xi32, #tpu.memory_space<hbm>> -> memref<20480xi32, #tpu.memory_space<hbm>>
    %dma_start3A_16 = arith.constant 0 : i32
    %dma_start3A_17 = tpu.memref_slice %arg2[%add3A_12, %dma_start3A_16] : memref<4096x20480xi32, #tpu.memory_space<hbm>> -> memref<1x20480xi32, #tpu.memory_space<hbm>>
    %dma_start3A_18 = tpu.memref_squeeze %dma_start3A_17 : memref<1x20480xi32, #tpu.memory_space<hbm>> -> memref<20480xi32, #tpu.memory_space<hbm>>
    tpu.enqueue_dma source(%dma_start3A_18 : memref<20480xi32, #tpu.memory_space<hbm>>) target(%arg6 : memref<20480xi32, #tpu.memory_space<vmem>>) target_semaphore(%arg11 : memref<!tpu.dma_semaphore, #tpu.memory_space<semaphore_mem>>)
    %scan3A = arith.constant 0 : i32
    %scan3A_19 = arith.constant 0 : i32
    %scan3A_20 = arith.constant 64 : i32
    %scan3A_21 = arith.addi %scan3A_19, %scan3A_20 : i32
    %scan3A_22 = arith.constant 1 : i32
    scf.for %scan3A_44 = %scan3A_19 to %scan3A_21 step %scan3A_22  : i32 {
      %mul3A_45 = arith.constant 2 : i32
      %mul3A_46 = arith.muli %mul3A_45, %scan3A_44 : i32
      %add3A_47 = arith.constant 0 : i32
      %add3A_48 = arith.addi %mul3A_46, %add3A_47 : i32
      %add3A_49 = arith.addi %mul3A_2, %add3A_48 : i32
      %dma_wait3A_50 = arith.constant 0 : i32
      %dma_wait3A_51 = tpu.memref_slice %arg2[%add3A_49, %dma_wait3A_50] : memref<4096x20480xi32, #tpu.memory_space<hbm>> -> memref<1x20480xi32, #tpu.memory_space<hbm>>
      %dma_wait3A_52 = tpu.memref_squeeze %dma_wait3A_51 : memref<1x20480xi32, #tpu.memory_space<hbm>> -> memref<20480xi32, #tpu.memory_space<hbm>>
      %dma_wait3A_53 = arith.constant 0 : i32
      %dma_wait3A_54 = tpu.memref_slice %arg2[%add3A_49, %dma_wait3A_53] : memref<4096x20480xi32, #tpu.memory_space<hbm>> -> memref<1x20480xi32, #tpu.memory_space<hbm>>
      %dma_wait3A_55 = tpu.memref_squeeze %dma_wait3A_54 : memref<1x20480xi32, #tpu.memory_space<hbm>> -> memref<20480xi32, #tpu.memory_space<hbm>>
      tpu.wait_dma2 semaphore(%arg10 : memref<!tpu.dma_semaphore, #tpu.memory_space<semaphore_mem>>) src(%dma_wait3A_55 : memref<20480xi32, #tpu.memory_space<hbm>>) dst(%arg5 : memref<20480xi32, #tpu.memory_space<vmem>>)
      %gt3A = arith.constant 0 : i32
      %gt3A_56 = arith.cmpi sgt, %scan3A_44, %gt3A : i32
      %convert_element_type3A = arith.extui %gt3A_56 : i1 to i32
      %cond3A = arith.constant 0 : i32
      %cond3A_57 = arith.cmpi ne, %convert_element_type3A, %cond3A : i32
      scf.if %cond3A_57 {
        %sub3A_108 = arith.constant 2 : i32
        %sub3A_109 = arith.subi %add3A_49, %sub3A_108 : i32
        %dma_wait3A_110 = arith.constant 0 : i32
        %dma_wait3A_111 = arith.constant 0 : i32
        %dma_wait3A_112 = tpu.memref_slice %arg4[%sub3A_109, %dma_wait3A_110, %dma_wait3A_111] : memref<4096x2x2048xf32, #tpu.memory_space<hbm>> -> memref<1x2x2048xf32, #tpu.memory_space<hbm>>
        %dma_wait3A_113 = tpu.memref_squeeze %dma_wait3A_112 : memref<1x2x2048xf32, #tpu.memory_space<hbm>> -> memref<2x2048xf32, #tpu.memory_space<hbm>>
        %dma_wait3A_114 = arith.constant 0 : i32
        %dma_wait3A_115 = arith.constant 0 : i32
        %dma_wait3A_116 = tpu.memref_slice %arg4[%sub3A_109, %dma_wait3A_114, %dma_wait3A_115] : memref<4096x2x2048xf32, #tpu.memory_space<hbm>> -> memref<1x2x2048xf32, #tpu.memory_space<hbm>>
        %dma_wait3A_117 = tpu.memref_squeeze %dma_wait3A_116 : memref<1x2x2048xf32, #tpu.memory_space<hbm>> -> memref<2x2048xf32, #tpu.memory_space<hbm>>
        tpu.wait_dma2 semaphore(%arg12 : memref<!tpu.dma_semaphore, #tpu.memory_space<semaphore_mem>>) src(%arg7 : memref<2x2048xf32, #tpu.memory_space<vmem>>) dst(%dma_wait3A_117 : memref<2x2048xf32, #tpu.memory_space<hbm>>)
      } else {
      }
      %parallel_loop3A = arith.constant 0 : i32
      %parallel_loop3A_58 = arith.constant 128 : i32
      %parallel_loop3A_59 = arith.constant 1 : i32
      scf.for %parallel_loop3A_108 = %parallel_loop3A to %parallel_loop3A_58 step %parallel_loop3A_59  : i32 {
        %parallel_loop3A_109 = arith.constant 160 : i32
        %parallel_loop3A_110 = arith.muli %parallel_loop3A_108, %parallel_loop3A_109 : i32
        %parallel_loop3A_111 = vector.broadcast %parallel_loop3A_110 : i32 to vector<16xi32>
        %parallel_loop3A_112 = arith.addi %mul3A_5, %parallel_loop3A_111 : vector<16xi32>
        %parallel_loop3A_113 = tpu.vector_load_idx %arg5[%parallel_loop3A_112] : memref<20480xi32, #tpu.memory_space<vmem>>[vector<16xi32>], vector<16xi32>,
        %parallel_loop3A_114 = arith.constant 1 : i32
        %parallel_loop3A_115 = vector.broadcast %parallel_loop3A_114 : i32 to vector<16xi32>
        %parallel_loop3A_116 = arith.addi %parallel_loop3A_112, %parallel_loop3A_115 : vector<16xi32>
        %parallel_loop3A_117 = tpu.vector_load_idx %arg5[%parallel_loop3A_116] : memref<20480xi32, #tpu.memory_space<vmem>>[vector<16xi32>], vector<16xi32>,
        %parallel_loop3A_118 = arith.constant 2 : i32
        %parallel_loop3A_119 = vector.broadcast %parallel_loop3A_118 : i32 to vector<16xi32>
        %parallel_loop3A_120 = arith.muli %parallel_loop3A_113, %parallel_loop3A_119 : vector<16xi32>
        %parallel_loop3A_121 = arith.addi %parallel_loop3A_120, %parallel_loop3A_117 : vector<16xi32>
        %parallel_loop3A_122 = arith.constant 2 : i32
        %parallel_loop3A_123 = vector.broadcast %parallel_loop3A_122 : i32 to vector<16xi32>
        %parallel_loop3A_124 = arith.addi %parallel_loop3A_112, %parallel_loop3A_123 : vector<16xi32>
        %parallel_loop3A_125 = tpu.vector_load_idx %arg5[%parallel_loop3A_124] : memref<20480xi32, #tpu.memory_space<vmem>>[vector<16xi32>], vector<16xi32>,
        %parallel_loop3A_126 = arith.constant 2 : i32
        %parallel_loop3A_127 = vector.broadcast %parallel_loop3A_126 : i32 to vector<16xi32>
        %parallel_loop3A_128 = arith.muli %parallel_loop3A_121, %parallel_loop3A_127 : vector<16xi32>
        %parallel_loop3A_129 = arith.addi %parallel_loop3A_128, %parallel_loop3A_125 : vector<16xi32>
        %parallel_loop3A_130 = arith.constant 3 : i32
        %parallel_loop3A_131 = vector.broadcast %parallel_loop3A_130 : i32 to vector<16xi32>
        %parallel_loop3A_132 = arith.addi %parallel_loop3A_112, %parallel_loop3A_131 : vector<16xi32>
        %parallel_loop3A_133 = tpu.vector_load_idx %arg5[%parallel_loop3A_132] : memref<20480xi32, #tpu.memory_space<vmem>>[vector<16xi32>], vector<16xi32>,
        %parallel_loop3A_134 = arith.constant 2 : i32
        %parallel_loop3A_135 = vector.broadcast %parallel_loop3A_134 : i32 to vector<16xi32>
        %parallel_loop3A_136 = arith.muli %parallel_loop3A_129, %parallel_loop3A_135 : vector<16xi32>
        %parallel_loop3A_137 = arith.addi %parallel_loop3A_136, %parallel_loop3A_133 : vector<16xi32>
        %parallel_loop3A_138 = arith.constant 4 : i32
        %parallel_loop3A_139 = vector.broadcast %parallel_loop3A_138 : i32 to vector<16xi32>
        %parallel_loop3A_140 = arith.addi %parallel_loop3A_112, %parallel_loop3A_139 : vector<16xi32>
        %parallel_loop3A_141 = tpu.vector_load_idx %arg5[%parallel_loop3A_140] : memref<20480xi32, #tpu.memory_space<vmem>>[vector<16xi32>], vector<16xi32>,
        %parallel_loop3A_142 = arith.constant 2 : i32
        %parallel_loop3A_143 = vector.broadcast %parallel_loop3A_142 : i32 to vector<16xi32>
        %parallel_loop3A_144 = arith.muli %parallel_loop3A_137, %parallel_loop3A_143 : vector<16xi32>
        %parallel_loop3A_145 = arith.addi %parallel_loop3A_144, %parallel_loop3A_141 : vector<16xi32>
        %parallel_loop3A_146 = arith.constant 5 : i32
        %parallel_loop3A_147 = vector.broadcast %parallel_loop3A_146 : i32 to vector<16xi32>
        %parallel_loop3A_148 = arith.addi %parallel_loop3A_112, %parallel_loop3A_147 : vector<16xi32>
        %parallel_loop3A_149 = tpu.vector_load_idx %arg5[%parallel_loop3A_148] : memref<20480xi32, #tpu.memory_space<vmem>>[vector<16xi32>], vector<16xi32>,
        %parallel_loop3A_150 = arith.constant 2 : i32
        %parallel_loop3A_151 = vector.broadcast %parallel_loop3A_150 : i32 to vector<16xi32>
        %parallel_loop3A_152 = arith.muli %parallel_loop3A_145, %parallel_loop3A_151 : vector<16xi32>
        %parallel_loop3A_153 = arith.addi %parallel_loop3A_152, %parallel_loop3A_149 : vector<16xi32>
        %parallel_loop3A_154 = arith.constant 6 : i32
        %parallel_loop3A_155 = vector.broadcast %parallel_loop3A_154 : i32 to vector<16xi32>
        %parallel_loop3A_156 = arith.addi %parallel_loop3A_112, %parallel_loop3A_155 : vector<16xi32>
        %parallel_loop3A_157 = tpu.vector_load_idx %arg5[%parallel_loop3A_156] : memref<20480xi32, #tpu.memory_space<vmem>>[vector<16xi32>], vector<16xi32>,
        %parallel_loop3A_158 = arith.constant 2 : i32
        %parallel_loop3A_159 = vector.broadcast %parallel_loop3A_158 : i32 to vector<16xi32>
        %parallel_loop3A_160 = arith.muli %parallel_loop3A_153, %parallel_loop3A_159 : vector<16xi32>
        %parallel_loop3A_161 = arith.addi %parallel_loop3A_160, %parallel_loop3A_157 : vector<16xi32>
        %parallel_loop3A_162 = arith.constant 7 : i32
        %parallel_loop3A_163 = vector.broadcast %parallel_loop3A_162 : i32 to vector<16xi32>
        %parallel_loop3A_164 = arith.addi %parallel_loop3A_112, %parallel_loop3A_163 : vector<16xi32>
        %parallel_loop3A_165 = tpu.vector_load_idx %arg5[%parallel_loop3A_164] : memref<20480xi32, #tpu.memory_space<vmem>>[vector<16xi32>], vector<16xi32>,
        %parallel_loop3A_166 = arith.constant 2 : i32
        %parallel_loop3A_167 = vector.broadcast %parallel_loop3A_166 : i32 to vector<16xi32>
        %parallel_loop3A_168 = arith.muli %parallel_loop3A_161, %parallel_loop3A_167 : vector<16xi32>
        %parallel_loop3A_169 = arith.addi %parallel_loop3A_168, %parallel_loop3A_165 : vector<16xi32>
        %parallel_loop3A_170 = arith.constant 8 : i32
        %parallel_loop3A_171 = vector.broadcast %parallel_loop3A_170 : i32 to vector<16xi32>
        %parallel_loop3A_172 = arith.addi %parallel_loop3A_112, %parallel_loop3A_171 : vector<16xi32>
        %parallel_loop3A_173 = tpu.vector_load_idx %arg5[%parallel_loop3A_172] : memref<20480xi32, #tpu.memory_space<vmem>>[vector<16xi32>], vector<16xi32>,
        %parallel_loop3A_174 = arith.constant 2 : i32
        %parallel_loop3A_175 = vector.broadcast %parallel_loop3A_174 : i32 to vector<16xi32>
        %parallel_loop3A_176 = arith.muli %parallel_loop3A_169, %parallel_loop3A_175 : vector<16xi32>
        %parallel_loop3A_177 = arith.addi %parallel_loop3A_176, %parallel_loop3A_173 : vector<16xi32>
        %parallel_loop3A_178 = arith.constant 9 : i32
        %parallel_loop3A_179 = vector.broadcast %parallel_loop3A_178 : i32 to vector<16xi32>
        %parallel_loop3A_180 = arith.addi %parallel_loop3A_112, %parallel_loop3A_179 : vector<16xi32>
        %parallel_loop3A_181 = tpu.vector_load_idx %arg5[%parallel_loop3A_180] : memref<20480xi32, #tpu.memory_space<vmem>>[vector<16xi32>], vector<16xi32>,
        %parallel_loop3A_182 = arith.constant 2 : i32
        %parallel_loop3A_183 = vector.broadcast %parallel_loop3A_182 : i32 to vector<16xi32>
        %parallel_loop3A_184 = arith.muli %parallel_loop3A_177, %parallel_loop3A_183 : vector<16xi32>
        %parallel_loop3A_185 = arith.addi %parallel_loop3A_184, %parallel_loop3A_181 : vector<16xi32>
        %parallel_loop3A_186 = arith.constant 2 : i32
        %parallel_loop3A_187 = vector.broadcast %parallel_loop3A_186 : i32 to vector<16xi32>
        %parallel_loop3A_188 = arith.muli %parallel_loop3A_185, %parallel_loop3A_187 : vector<16xi32>
        %parallel_loop3A_189 = tpu.vector_load_idx %arg9[%parallel_loop3A_188] : memref<2048xf32, #tpu.memory_space<vmem>>[vector<16xi32>], vector<16xf32>,
        %parallel_loop3A_190 = arith.constant 2 : i32
        %parallel_loop3A_191 = vector.broadcast %parallel_loop3A_190 : i32 to vector<16xi32>
        %parallel_loop3A_192 = arith.muli %parallel_loop3A_185, %parallel_loop3A_191 : vector<16xi32>
        %parallel_loop3A_193 = arith.constant 1 : i32
        %parallel_loop3A_194 = vector.broadcast %parallel_loop3A_193 : i32 to vector<16xi32>
        %parallel_loop3A_195 = arith.addi %parallel_loop3A_192, %parallel_loop3A_194 : vector<16xi32>
        %parallel_loop3A_196 = tpu.vector_load_idx %arg9[%parallel_loop3A_195] : memref<2048xf32, #tpu.memory_space<vmem>>[vector<16xi32>], vector<16xf32>,
        %parallel_loop3A_197 = arith.constant 16 : i32
        %parallel_loop3A_198 = arith.muli %parallel_loop3A_108, %parallel_loop3A_197 : i32
        %parallel_loop3A_199 = arith.constant 0 : i32
        %parallel_loop3A_200 = arith.index_cast %parallel_loop3A_199 : i32 to index
        %parallel_loop3A_201 = arith.index_cast %parallel_loop3A_198 : i32 to index
        %parallel_loop3A_202 = tpu.vector_load %arg7[%parallel_loop3A_200, %parallel_loop3A_201] {strides = array<i32>} : memref<2x2048xf32, #tpu.memory_space<vmem>>, vector<16xf32>,
        tpu.vector_store %arg7[%parallel_loop3A_200, %parallel_loop3A_201], %parallel_loop3A_189 {strides = array<i32>} : memref<2x2048xf32, #tpu.memory_space<vmem>>, vector<16xf32>,
        %parallel_loop3A_203 = arith.constant 16 : i32
        %parallel_loop3A_204 = arith.muli %parallel_loop3A_108, %parallel_loop3A_203 : i32
        %parallel_loop3A_205 = arith.constant 1 : i32
        %parallel_loop3A_206 = arith.index_cast %parallel_loop3A_205 : i32 to index
        %parallel_loop3A_207 = arith.index_cast %parallel_loop3A_204 : i32 to index
        %parallel_loop3A_208 = tpu.vector_load %arg7[%parallel_loop3A_206, %parallel_loop3A_207] {strides = array<i32>} : memref<2x2048xf32, #tpu.memory_space<vmem>>, vector<16xf32>,
        tpu.vector_store %arg7[%parallel_loop3A_206, %parallel_loop3A_207], %parallel_loop3A_196 {strides = array<i32>} : memref<2x2048xf32, #tpu.memory_space<vmem>>, vector<16xf32>,
      } {sc.loop_unroll_factor = 4 : i64, sc.parallel_access}
      %add3A_60 = arith.constant 2 : i32
      %add3A_61 = arith.addi %add3A_48, %add3A_60 : i32
      %lt3A = arith.constant 128 : i32
      %lt3A_62 = arith.cmpi slt, %add3A_61, %lt3A : i32
      %convert_element_type3A_63 = arith.extui %lt3A_62 : i1 to i32
      %cond3A_64 = arith.constant 0 : i32
      %cond3A_65 = arith.cmpi ne, %convert_element_type3A_63, %cond3A_64 : i32
      scf.if %cond3A_65 {
        %add3A_108 = arith.constant 2 : i32
        %add3A_109 = arith.addi %add3A_49, %add3A_108 : i32
        %dma_start3A_110 = arith.constant 0 : i32
        %dma_start3A_111 = tpu.memref_slice %arg2[%add3A_109, %dma_start3A_110] : memref<4096x20480xi32, #tpu.memory_space<hbm>> -> memref<1x20480xi32, #tpu.memory_space<hbm>>
        %dma_start3A_112 = tpu.memref_squeeze %dma_start3A_111 : memref<1x20480xi32, #tpu.memory_space<hbm>> -> memref<20480xi32, #tpu.memory_space<hbm>>
        %dma_start3A_113 = arith.constant 0 : i32
        %dma_start3A_114 = tpu.memref_slice %arg2[%add3A_109, %dma_start3A_113] : memref<4096x20480xi32, #tpu.memory_space<hbm>> -> memref<1x20480xi32, #tpu.memory_space<hbm>>
        %dma_start3A_115 = tpu.memref_squeeze %dma_start3A_114 : memref<1x20480xi32, #tpu.memory_space<hbm>> -> memref<20480xi32, #tpu.memory_space<hbm>>
        tpu.enqueue_dma source(%dma_start3A_115 : memref<20480xi32, #tpu.memory_space<hbm>>) target(%arg5 : memref<20480xi32, #tpu.memory_space<vmem>>) target_semaphore(%arg10 : memref<!tpu.dma_semaphore, #tpu.memory_space<semaphore_mem>>)
      } else {
      }
      %dma_start3A_66 = arith.constant 0 : i32
      %dma_start3A_67 = arith.constant 0 : i32
      %dma_start3A_68 = tpu.memref_slice %arg4[%add3A_49, %dma_start3A_66, %dma_start3A_67] : memref<4096x2x2048xf32, #tpu.memory_space<hbm>> -> memref<1x2x2048xf32, #tpu.memory_space<hbm>>
      %dma_start3A_69 = tpu.memref_squeeze %dma_start3A_68 : memref<1x2x2048xf32, #tpu.memory_space<hbm>> -> memref<2x2048xf32, #tpu.memory_space<hbm>>
      %dma_start3A_70 = arith.constant 0 : i32
      %dma_start3A_71 = arith.constant 0 : i32
      %dma_start3A_72 = tpu.memref_slice %arg4[%add3A_49, %dma_start3A_70, %dma_start3A_71] : memref<4096x2x2048xf32, #tpu.memory_space<hbm>> -> memref<1x2x2048xf32, #tpu.memory_space<hbm>>
      %dma_start3A_73 = tpu.memref_squeeze %dma_start3A_72 : memref<1x2x2048xf32, #tpu.memory_space<hbm>> -> memref<2x2048xf32, #tpu.memory_space<hbm>>
      tpu.enqueue_dma source(%arg7 : memref<2x2048xf32, #tpu.memory_space<vmem>>) target(%dma_start3A_73 : memref<2x2048xf32, #tpu.memory_space<hbm>>) target_semaphore(%arg12 : memref<!tpu.dma_semaphore, #tpu.memory_space<semaphore_mem>>)
      %mul3A_74 = arith.constant 2 : i32
      %mul3A_75 = arith.muli %mul3A_74, %scan3A_44 : i32
      %add3A_76 = arith.constant 1 : i32
      %add3A_77 = arith.addi %mul3A_75, %add3A_76 : i32
      %add3A_78 = arith.addi %mul3A_2, %add3A_77 : i32
      %dma_wait3A_79 = arith.constant 0 : i32
      %dma_wait3A_80 = tpu.memref_slice %arg2[%add3A_78, %dma_wait3A_79] : memref<4096x20480xi32, #tpu.memory_space<hbm>> -> memref<1x20480xi32, #tpu.memory_space<hbm>>
      %dma_wait3A_81 = tpu.memref_squeeze %dma_wait3A_80 : memref<1x20480xi32, #tpu.memory_space<hbm>> -> memref<20480xi32, #tpu.memory_space<hbm>>
      %dma_wait3A_82 = arith.constant 0 : i32
      %dma_wait3A_83 = tpu.memref_slice %arg2[%add3A_78, %dma_wait3A_82] : memref<4096x20480xi32, #tpu.memory_space<hbm>> -> memref<1x20480xi32, #tpu.memory_space<hbm>>
      %dma_wait3A_84 = tpu.memref_squeeze %dma_wait3A_83 : memref<1x20480xi32, #tpu.memory_space<hbm>> -> memref<20480xi32, #tpu.memory_space<hbm>>
      tpu.wait_dma2 semaphore(%arg11 : memref<!tpu.dma_semaphore, #tpu.memory_space<semaphore_mem>>) src(%dma_wait3A_84 : memref<20480xi32, #tpu.memory_space<hbm>>) dst(%arg6 : memref<20480xi32, #tpu.memory_space<vmem>>)
      %gt3A_85 = arith.constant 0 : i32
      %gt3A_86 = arith.cmpi sgt, %scan3A_44, %gt3A_85 : i32
      %convert_element_type3A_87 = arith.extui %gt3A_86 : i1 to i32
      %cond3A_88 = arith.constant 0 : i32
      %cond3A_89 = arith.cmpi ne, %convert_element_type3A_87, %cond3A_88 : i32
      scf.if %cond3A_89 {
        %sub3A_108 = arith.constant 2 : i32
        %sub3A_109 = arith.subi %add3A_78, %sub3A_108 : i32
        %dma_wait3A_110 = arith.constant 0 : i32
        %dma_wait3A_111 = arith.constant 0 : i32
        %dma_wait3A_112 = tpu.memref_slice %arg4[%sub3A_109, %dma_wait3A_110, %dma_wait3A_111] : memref<4096x2x2048xf32, #tpu.memory_space<hbm>> -> memref<1x2x2048xf32, #tpu.memory_space<hbm>>
        %dma_wait3A_113 = tpu.memref_squeeze %dma_wait3A_112 : memref<1x2x2048xf32, #tpu.memory_space<hbm>> -> memref<2x2048xf32, #tpu.memory_space<hbm>>
        %dma_wait3A_114 = arith.constant 0 : i32
        %dma_wait3A_115 = arith.constant 0 : i32
        %dma_wait3A_116 = tpu.memref_slice %arg4[%sub3A_109, %dma_wait3A_114, %dma_wait3A_115] : memref<4096x2x2048xf32, #tpu.memory_space<hbm>> -> memref<1x2x2048xf32, #tpu.memory_space<hbm>>
        %dma_wait3A_117 = tpu.memref_squeeze %dma_wait3A_116 : memref<1x2x2048xf32, #tpu.memory_space<hbm>> -> memref<2x2048xf32, #tpu.memory_space<hbm>>
        tpu.wait_dma2 semaphore(%arg13 : memref<!tpu.dma_semaphore, #tpu.memory_space<semaphore_mem>>) src(%arg8 : memref<2x2048xf32, #tpu.memory_space<vmem>>) dst(%dma_wait3A_117 : memref<2x2048xf32, #tpu.memory_space<hbm>>)
      } else {
      }
      %parallel_loop3A_90 = arith.constant 0 : i32
      %parallel_loop3A_91 = arith.constant 128 : i32
      %parallel_loop3A_92 = arith.constant 1 : i32
      scf.for %parallel_loop3A_108 = %parallel_loop3A_90 to %parallel_loop3A_91 step %parallel_loop3A_92  : i32 {
        %parallel_loop3A_109 = arith.constant 160 : i32
        %parallel_loop3A_110 = arith.muli %parallel_loop3A_108, %parallel_loop3A_109 : i32
        %parallel_loop3A_111 = vector.broadcast %parallel_loop3A_110 : i32 to vector<16xi32>
        %parallel_loop3A_112 = arith.addi %mul3A_5, %parallel_loop3A_111 : vector<16xi32>
        %parallel_loop3A_113 = tpu.vector_load_idx %arg6[%parallel_loop3A_112] : memref<20480xi32, #tpu.memory_space<vmem>>[vector<16xi32>], vector<16xi32>,
        %parallel_loop3A_114 = arith.constant 1 : i32
        %parallel_loop3A_115 = vector.broadcast %parallel_loop3A_114 : i32 to vector<16xi32>
        %parallel_loop3A_116 = arith.addi %parallel_loop3A_112, %parallel_loop3A_115 : vector<16xi32>
        %parallel_loop3A_117 = tpu.vector_load_idx %arg6[%parallel_loop3A_116] : memref<20480xi32, #tpu.memory_space<vmem>>[vector<16xi32>], vector<16xi32>,
        %parallel_loop3A_118 = arith.constant 2 : i32
        %parallel_loop3A_119 = vector.broadcast %parallel_loop3A_118 : i32 to vector<16xi32>
        %parallel_loop3A_120 = arith.muli %parallel_loop3A_113, %parallel_loop3A_119 : vector<16xi32>
        %parallel_loop3A_121 = arith.addi %parallel_loop3A_120, %parallel_loop3A_117 : vector<16xi32>
        %parallel_loop3A_122 = arith.constant 2 : i32
        %parallel_loop3A_123 = vector.broadcast %parallel_loop3A_122 : i32 to vector<16xi32>
        %parallel_loop3A_124 = arith.addi %parallel_loop3A_112, %parallel_loop3A_123 : vector<16xi32>
        %parallel_loop3A_125 = tpu.vector_load_idx %arg6[%parallel_loop3A_124] : memref<20480xi32, #tpu.memory_space<vmem>>[vector<16xi32>], vector<16xi32>,
        %parallel_loop3A_126 = arith.constant 2 : i32
        %parallel_loop3A_127 = vector.broadcast %parallel_loop3A_126 : i32 to vector<16xi32>
        %parallel_loop3A_128 = arith.muli %parallel_loop3A_121, %parallel_loop3A_127 : vector<16xi32>
        %parallel_loop3A_129 = arith.addi %parallel_loop3A_128, %parallel_loop3A_125 : vector<16xi32>
        %parallel_loop3A_130 = arith.constant 3 : i32
        %parallel_loop3A_131 = vector.broadcast %parallel_loop3A_130 : i32 to vector<16xi32>
        %parallel_loop3A_132 = arith.addi %parallel_loop3A_112, %parallel_loop3A_131 : vector<16xi32>
        %parallel_loop3A_133 = tpu.vector_load_idx %arg6[%parallel_loop3A_132] : memref<20480xi32, #tpu.memory_space<vmem>>[vector<16xi32>], vector<16xi32>,
        %parallel_loop3A_134 = arith.constant 2 : i32
        %parallel_loop3A_135 = vector.broadcast %parallel_loop3A_134 : i32 to vector<16xi32>
        %parallel_loop3A_136 = arith.muli %parallel_loop3A_129, %parallel_loop3A_135 : vector<16xi32>
        %parallel_loop3A_137 = arith.addi %parallel_loop3A_136, %parallel_loop3A_133 : vector<16xi32>
        %parallel_loop3A_138 = arith.constant 4 : i32
        %parallel_loop3A_139 = vector.broadcast %parallel_loop3A_138 : i32 to vector<16xi32>
        %parallel_loop3A_140 = arith.addi %parallel_loop3A_112, %parallel_loop3A_139 : vector<16xi32>
        %parallel_loop3A_141 = tpu.vector_load_idx %arg6[%parallel_loop3A_140] : memref<20480xi32, #tpu.memory_space<vmem>>[vector<16xi32>], vector<16xi32>,
        %parallel_loop3A_142 = arith.constant 2 : i32
        %parallel_loop3A_143 = vector.broadcast %parallel_loop3A_142 : i32 to vector<16xi32>
        %parallel_loop3A_144 = arith.muli %parallel_loop3A_137, %parallel_loop3A_143 : vector<16xi32>
        %parallel_loop3A_145 = arith.addi %parallel_loop3A_144, %parallel_loop3A_141 : vector<16xi32>
        %parallel_loop3A_146 = arith.constant 5 : i32
        %parallel_loop3A_147 = vector.broadcast %parallel_loop3A_146 : i32 to vector<16xi32>
        %parallel_loop3A_148 = arith.addi %parallel_loop3A_112, %parallel_loop3A_147 : vector<16xi32>
        %parallel_loop3A_149 = tpu.vector_load_idx %arg6[%parallel_loop3A_148] : memref<20480xi32, #tpu.memory_space<vmem>>[vector<16xi32>], vector<16xi32>,
        %parallel_loop3A_150 = arith.constant 2 : i32
        %parallel_loop3A_151 = vector.broadcast %parallel_loop3A_150 : i32 to vector<16xi32>
        %parallel_loop3A_152 = arith.muli %parallel_loop3A_145, %parallel_loop3A_151 : vector<16xi32>
        %parallel_loop3A_153 = arith.addi %parallel_loop3A_152, %parallel_loop3A_149 : vector<16xi32>
        %parallel_loop3A_154 = arith.constant 6 : i32
        %parallel_loop3A_155 = vector.broadcast %parallel_loop3A_154 : i32 to vector<16xi32>
        %parallel_loop3A_156 = arith.addi %parallel_loop3A_112, %parallel_loop3A_155 : vector<16xi32>
        %parallel_loop3A_157 = tpu.vector_load_idx %arg6[%parallel_loop3A_156] : memref<20480xi32, #tpu.memory_space<vmem>>[vector<16xi32>], vector<16xi32>,
        %parallel_loop3A_158 = arith.constant 2 : i32
        %parallel_loop3A_159 = vector.broadcast %parallel_loop3A_158 : i32 to vector<16xi32>
        %parallel_loop3A_160 = arith.muli %parallel_loop3A_153, %parallel_loop3A_159 : vector<16xi32>
        %parallel_loop3A_161 = arith.addi %parallel_loop3A_160, %parallel_loop3A_157 : vector<16xi32>
        %parallel_loop3A_162 = arith.constant 7 : i32
        %parallel_loop3A_163 = vector.broadcast %parallel_loop3A_162 : i32 to vector<16xi32>
        %parallel_loop3A_164 = arith.addi %parallel_loop3A_112, %parallel_loop3A_163 : vector<16xi32>
        %parallel_loop3A_165 = tpu.vector_load_idx %arg6[%parallel_loop3A_164] : memref<20480xi32, #tpu.memory_space<vmem>>[vector<16xi32>], vector<16xi32>,
        %parallel_loop3A_166 = arith.constant 2 : i32
        %parallel_loop3A_167 = vector.broadcast %parallel_loop3A_166 : i32 to vector<16xi32>
        %parallel_loop3A_168 = arith.muli %parallel_loop3A_161, %parallel_loop3A_167 : vector<16xi32>
        %parallel_loop3A_169 = arith.addi %parallel_loop3A_168, %parallel_loop3A_165 : vector<16xi32>
        %parallel_loop3A_170 = arith.constant 8 : i32
        %parallel_loop3A_171 = vector.broadcast %parallel_loop3A_170 : i32 to vector<16xi32>
        %parallel_loop3A_172 = arith.addi %parallel_loop3A_112, %parallel_loop3A_171 : vector<16xi32>
        %parallel_loop3A_173 = tpu.vector_load_idx %arg6[%parallel_loop3A_172] : memref<20480xi32, #tpu.memory_space<vmem>>[vector<16xi32>], vector<16xi32>,
        %parallel_loop3A_174 = arith.constant 2 : i32
        %parallel_loop3A_175 = vector.broadcast %parallel_loop3A_174 : i32 to vector<16xi32>
        %parallel_loop3A_176 = arith.muli %parallel_loop3A_169, %parallel_loop3A_175 : vector<16xi32>
        %parallel_loop3A_177 = arith.addi %parallel_loop3A_176, %parallel_loop3A_173 : vector<16xi32>
        %parallel_loop3A_178 = arith.constant 9 : i32
        %parallel_loop3A_179 = vector.broadcast %parallel_loop3A_178 : i32 to vector<16xi32>
        %parallel_loop3A_180 = arith.addi %parallel_loop3A_112, %parallel_loop3A_179 : vector<16xi32>
        %parallel_loop3A_181 = tpu.vector_load_idx %arg6[%parallel_loop3A_180] : memref<20480xi32, #tpu.memory_space<vmem>>[vector<16xi32>], vector<16xi32>,
        %parallel_loop3A_182 = arith.constant 2 : i32
        %parallel_loop3A_183 = vector.broadcast %parallel_loop3A_182 : i32 to vector<16xi32>
        %parallel_loop3A_184 = arith.muli %parallel_loop3A_177, %parallel_loop3A_183 : vector<16xi32>
        %parallel_loop3A_185 = arith.addi %parallel_loop3A_184, %parallel_loop3A_181 : vector<16xi32>
        %parallel_loop3A_186 = arith.constant 2 : i32
        %parallel_loop3A_187 = vector.broadcast %parallel_loop3A_186 : i32 to vector<16xi32>
        %parallel_loop3A_188 = arith.muli %parallel_loop3A_185, %parallel_loop3A_187 : vector<16xi32>
        %parallel_loop3A_189 = tpu.vector_load_idx %arg9[%parallel_loop3A_188] : memref<2048xf32, #tpu.memory_space<vmem>>[vector<16xi32>], vector<16xf32>,
        %parallel_loop3A_190 = arith.constant 2 : i32
        %parallel_loop3A_191 = vector.broadcast %parallel_loop3A_190 : i32 to vector<16xi32>
        %parallel_loop3A_192 = arith.muli %parallel_loop3A_185, %parallel_loop3A_191 : vector<16xi32>
        %parallel_loop3A_193 = arith.constant 1 : i32
        %parallel_loop3A_194 = vector.broadcast %parallel_loop3A_193 : i32 to vector<16xi32>
        %parallel_loop3A_195 = arith.addi %parallel_loop3A_192, %parallel_loop3A_194 : vector<16xi32>
        %parallel_loop3A_196 = tpu.vector_load_idx %arg9[%parallel_loop3A_195] : memref<2048xf32, #tpu.memory_space<vmem>>[vector<16xi32>], vector<16xf32>,
        %parallel_loop3A_197 = arith.constant 16 : i32
        %parallel_loop3A_198 = arith.muli %parallel_loop3A_108, %parallel_loop3A_197 : i32
        %parallel_loop3A_199 = arith.constant 0 : i32
        %parallel_loop3A_200 = arith.index_cast %parallel_loop3A_199 : i32 to index
        %parallel_loop3A_201 = arith.index_cast %parallel_loop3A_198 : i32 to index
        %parallel_loop3A_202 = tpu.vector_load %arg8[%parallel_loop3A_200, %parallel_loop3A_201] {strides = array<i32>} : memref<2x2048xf32, #tpu.memory_space<vmem>>, vector<16xf32>,
        tpu.vector_store %arg8[%parallel_loop3A_200, %parallel_loop3A_201], %parallel_loop3A_189 {strides = array<i32>} : memref<2x2048xf32, #tpu.memory_space<vmem>>, vector<16xf32>,
        %parallel_loop3A_203 = arith.constant 16 : i32
        %parallel_loop3A_204 = arith.muli %parallel_loop3A_108, %parallel_loop3A_203 : i32
        %parallel_loop3A_205 = arith.constant 1 : i32
        %parallel_loop3A_206 = arith.index_cast %parallel_loop3A_205 : i32 to index
        %parallel_loop3A_207 = arith.index_cast %parallel_loop3A_204 : i32 to index
        %parallel_loop3A_208 = tpu.vector_load %arg8[%parallel_loop3A_206, %parallel_loop3A_207] {strides = array<i32>} : memref<2x2048xf32, #tpu.memory_space<vmem>>, vector<16xf32>,
        tpu.vector_store %arg8[%parallel_loop3A_206, %parallel_loop3A_207], %parallel_loop3A_196 {strides = array<i32>} : memref<2x2048xf32, #tpu.memory_space<vmem>>, vector<16xf32>,
      } {sc.loop_unroll_factor = 4 : i64, sc.parallel_access}
      %add3A_93 = arith.constant 2 : i32
      %add3A_94 = arith.addi %add3A_77, %add3A_93 : i32
      %lt3A_95 = arith.constant 128 : i32
      %lt3A_96 = arith.cmpi slt, %add3A_94, %lt3A_95 : i32
      %convert_element_type3A_97 = arith.extui %lt3A_96 : i1 to i32
      %cond3A_98 = arith.constant 0 : i32
      %cond3A_99 = arith.cmpi ne, %convert_element_type3A_97, %cond3A_98 : i32
      scf.if %cond3A_99 {
        %add3A_108 = arith.constant 2 : i32
        %add3A_109 = arith.addi %add3A_78, %add3A_108 : i32
        %dma_start3A_110 = arith.constant 0 : i32
        %dma_start3A_111 = tpu.memref_slice %arg2[%add3A_109, %dma_start3A_110] : memref<4096x20480xi32, #tpu.memory_space<hbm>> -> memref<1x20480xi32, #tpu.memory_space<hbm>>
        %dma_start3A_112 = tpu.memref_squeeze %dma_start3A_111 : memref<1x20480xi32, #tpu.memory_space<hbm>> -> memref<20480xi32, #tpu.memory_space<hbm>>
        %dma_start3A_113 = arith.constant 0 : i32
        %dma_start3A_114 = tpu.memref_slice %arg2[%add3A_109, %dma_start3A_113] : memref<4096x20480xi32, #tpu.memory_space<hbm>> -> memref<1x20480xi32, #tpu.memory_space<hbm>>
        %dma_start3A_115 = tpu.memref_squeeze %dma_start3A_114 : memref<1x20480xi32, #tpu.memory_space<hbm>> -> memref<20480xi32, #tpu.memory_space<hbm>>
        tpu.enqueue_dma source(%dma_start3A_115 : memref<20480xi32, #tpu.memory_space<hbm>>) target(%arg6 : memref<20480xi32, #tpu.memory_space<vmem>>) target_semaphore(%arg11 : memref<!tpu.dma_semaphore, #tpu.memory_space<semaphore_mem>>)
      } else {
      }
      %dma_start3A_100 = arith.constant 0 : i32
      %dma_start3A_101 = arith.constant 0 : i32
      %dma_start3A_102 = tpu.memref_slice %arg4[%add3A_78, %dma_start3A_100, %dma_start3A_101] : memref<4096x2x2048xf32, #tpu.memory_space<hbm>> -> memref<1x2x2048xf32, #tpu.memory_space<hbm>>
      %dma_start3A_103 = tpu.memref_squeeze %dma_start3A_102 : memref<1x2x2048xf32, #tpu.memory_space<hbm>> -> memref<2x2048xf32, #tpu.memory_space<hbm>>
      %dma_start3A_104 = arith.constant 0 : i32
      %dma_start3A_105 = arith.constant 0 : i32
      %dma_start3A_106 = tpu.memref_slice %arg4[%add3A_78, %dma_start3A_104, %dma_start3A_105] : memref<4096x2x2048xf32, #tpu.memory_space<hbm>> -> memref<1x2x2048xf32, #tpu.memory_space<hbm>>
      %dma_start3A_107 = tpu.memref_squeeze %dma_start3A_106 : memref<1x2x2048xf32, #tpu.memory_space<hbm>> -> memref<2x2048xf32, #tpu.memory_space<hbm>>
      tpu.enqueue_dma source(%arg8 : memref<2x2048xf32, #tpu.memory_space<vmem>>) target(%dma_start3A_107 : memref<2x2048xf32, #tpu.memory_space<hbm>>) target_semaphore(%arg13 : memref<!tpu.dma_semaphore, #tpu.memory_space<semaphore_mem>>)
    }
    %scan3A_23 = arith.constant 64 : i32
    %add3A_24 = arith.constant 128 : i32
    %add3A_25 = arith.addi %mul3A_2, %add3A_24 : i32
    %sub3A = arith.constant 2 : i32
    %sub3A_26 = arith.subi %add3A_25, %sub3A : i32
    %dma_wait3A = arith.constant 0 : i32
    %dma_wait3A_27 = arith.constant 0 : i32
    %dma_wait3A_28 = tpu.memref_slice %arg4[%sub3A_26, %dma_wait3A, %dma_wait3A_27] : memref<4096x2x2048xf32, #tpu.memory_space<hbm>> -> memref<1x2x2048xf32, #tpu.memory_space<hbm>>
    %dma_wait3A_29 = tpu.memref_squeeze %dma_wait3A_28 : memref<1x2x2048xf32, #tpu.memory_space<hbm>> -> memref<2x2048xf32, #tpu.memory_space<hbm>>
    %dma_wait3A_30 = arith.constant 0 : i32
    %dma_wait3A_31 = arith.constant 0 : i32
    %dma_wait3A_32 = tpu.memref_slice %arg4[%sub3A_26, %dma_wait3A_30, %dma_wait3A_31] : memref<4096x2x2048xf32, #tpu.memory_space<hbm>> -> memref<1x2x2048xf32, #tpu.memory_space<hbm>>
    %dma_wait3A_33 = tpu.memref_squeeze %dma_wait3A_32 : memref<1x2x2048xf32, #tpu.memory_space<hbm>> -> memref<2x2048xf32, #tpu.memory_space<hbm>>
    tpu.wait_dma2 semaphore(%arg12 : memref<!tpu.dma_semaphore, #tpu.memory_space<semaphore_mem>>) src(%arg7 : memref<2x2048xf32, #tpu.memory_space<vmem>>) dst(%dma_wait3A_33 : memref<2x2048xf32, #tpu.memory_space<hbm>>)
    %sub3A_34 = arith.constant 1 : i32
    %sub3A_35 = arith.subi %add3A_25, %sub3A_34 : i32
    %dma_wait3A_36 = arith.constant 0 : i32
    %dma_wait3A_37 = arith.constant 0 : i32
    %dma_wait3A_38 = tpu.memref_slice %arg4[%sub3A_35, %dma_wait3A_36, %dma_wait3A_37] : memref<4096x2x2048xf32, #tpu.memory_space<hbm>> -> memref<1x2x2048xf32, #tpu.memory_space<hbm>>
    %dma_wait3A_39 = tpu.memref_squeeze %dma_wait3A_38 : memref<1x2x2048xf32, #tpu.memory_space<hbm>> -> memref<2x2048xf32, #tpu.memory_space<hbm>>
    %dma_wait3A_40 = arith.constant 0 : i32
    %dma_wait3A_41 = arith.constant 0 : i32
    %dma_wait3A_42 = tpu.memref_slice %arg4[%sub3A_35, %dma_wait3A_40, %dma_wait3A_41] : memref<4096x2x2048xf32, #tpu.memory_space<hbm>> -> memref<1x2x2048xf32, #tpu.memory_space<hbm>>
    %dma_wait3A_43 = tpu.memref_squeeze %dma_wait3A_42 : memref<1x2x2048xf32, #tpu.memory_space<hbm>> -> memref<2x2048xf32, #tpu.memory_space<hbm>>
    tpu.wait_dma2 semaphore(%arg13 : memref<!tpu.dma_semaphore, #tpu.memory_space<semaphore_mem>>) src(%arg8 : memref<2x2048xf32, #tpu.memory_space<vmem>>) dst(%dma_wait3A_43 : memref<2x2048xf32, #tpu.memory_space<hbm>>)
    return
  }
}

</mosaic_0001>

<sc_bundles>
// kernel: kernel.3.cloned.1.call-start
scs
__scs_entry_jumppad:
0x0: {  	(pc) =	sbr.rel $0x88, $3  }
0x1: {  	(tag) =	ssettag $0x0;
	lr =	simm.s32 $0x1  }
0x2: {  	[smem:$0x3F9F] =	sst lr;
	_ =	strace $0xD0000000  }
0x3: {  	_ = 	snop  }
0x4: {  	_ = 	snop  }
0x5: {  	_ = 	snop  }
0x6: {  	_ = 	snop  }
0x7: {  	_ = 	snop  }
__scs_overlays_trampoline_lowered:
0x8: {  	[smem:$0x3FAE] =	sst s0  }
0x9: {  	[smem:$0x3FAF] =	sst s1  }
0xa: {  	[smem:$0x3FB0] =	sst s2  }
0xb: {  	[smem:$0x3FB1] =	sst s3  }
0xc: {  	[smem:$0x3FB2] =	sst s4  }
0xd: {  	[smem:$0x3FB3] =	sst s5  }
0xe: {  	[smem:$0x3FB4] =	sst s6  }
0xf: {  	[smem:$0x3FB5] =	sst s7  }
0x10: {  	[smem:$0x3FB6] =	sst s8  }
0x11: {  	[smem:$0x3FB7] =	sst s9;
	s0 =	simm.s32 @!p0 $0x0  }
0x12: {  	s1 =	sld [smem:$0x3F9D];
	s0 =	simm.s32 @p0 $0x1  }
0x13: {  	[smem:$0x3FB8] =	sst s0;
	s0 =	simm.s32 @!p1 $0x0  }
0x14: {  	s2 =	sld [smem:$0x3F9C];
	s0 =	simm.s32 @p1 $0x1  }
0x15: {  	[smem:$0x3FB9] =	sst s0;
	s0 =	simm.s32 @!p2 $0x0  }
0x16: {  	s3 =	sld [smem:$0x3FDB];
	s0 =	simm.s32 @p2 $0x1  }
0x17: {  	s4 =	simm.s32 $0x1BF5;
	[smem:$0x3FBB] =	sst s0  }
0x18: {  	s0 =	sld [smem:$0x3F9E];
	_ =	swait.ge [sflag:s4], $0x0  }
0x19: {  	s7 =	sld [smem:$0x3F9F]  }
0x1a: {  	s8 =	sadd.s32 $0xFFFFE003, lr  }
0x1b: {  	s9 =	sadd.s32 $0xFFFFFEF7, lr;
	s5 =	simm.s32 $0xFFFFFFFF;
	p2 =	slt.u32 s8, $0xFFFFF086  }
0x1c: {  	p1 =	slt.u32 s9, $0xF7A;
	s5 =	simm.s32 @!p2 $0x0  }
0x1d: {  	s5 =	simm.s32 @p1 $0x1;
	p0 =	seq.s32 s7, s2  }
0x1e: {  	s7 =	smul.u32 @!p0 $0xF7A, s2;
	p2 =	seq.s32 @!p0 s5, $0x0  }
0x1f: {  	s9 =	smul.u32 $0xF7A, s1;
	s8 =	simm.s32 @!p0 $0x1BF5;
	p2 =	por !p2, p0  }
0x20: {  	[sflag:s8] =	ssyncset.s32 @!p0 $0xFFFFF086;
	s6 =	sadd.s32 @!p0 s3, s7;
	s7 =	simm.s32 @!p0 $0x108  }
0x21: {  	s3 =	sadd.s32 s3, s9;
	s6 =	sadd.s32 @!p0 $0x88, s6;
	s7 =	simm.s32 @p2 $0x1082  }
0x22: {  	[simem:s7], [sflag:s8] =	dma.local @!p0 [hbm:s6], $0xF7A  }
0x23: {  	s9 =	sor.u32 $0xD0000000, s2;
	s6 =	simm.s32 $0x108;
	_ =	swait.ge @!p0 [sflag:s8], $0x0  }
0x24: {  	s3 =	sadd.s32 $0x88, s3;
	s6 =	simm.s32 @!p1 $0x1082;
	[sflag:s4] =	ssyncset.s32 $0xFFFFF086  }
0x25: {  	[simem:s6], [sflag:s4] =	dma.local [hbm:s3], $0xF7A  }
0x26: {  	[smem:$0x3F9F] =	sst s1;
	(tag) =	ssettag s2;
	_ =	strace s9  }
0x27: {  	s1 =	sld [smem:$0x3FAF]  }
0x28: {  	s2 =	sld [smem:$0x3FB0]  }
0x29: {  	s4 =	sld [smem:$0x3FB2]  }
0x2a: {  	p0 =	seq.s32 s5, $0x0;
	s5 =	sld [smem:$0x3FB3]  }
0x2b: {  	s6 =	sld [smem:$0x3FB4]  }
0x2c: {  	s7 =	sld [smem:$0x3FB5]  }
0x2d: {  	s3 =	simm.s32 $0x108;
	s8 =	sld [smem:$0x3FB6]  }
0x2e: {  	s3 =	simm.s32 @!p0 $0x1082;
	s9 =	sld [smem:$0x3FB7]  }
0x2f: {  	lr =	sadd.s32 s0, s3;
	s0 =	sld [smem:$0x3FAE]  }
0x30: {  	s3 =	sld [smem:$0x3FB1]  }
0x31: {  	[smem:$0x3FBA] =	sst s10  }
0x32: {  	s10 =	sld [smem:$0x3FB8];
	_ =	sdelay $0x3  }
0x33: {  	p0 =	seq.s32 s10, $0x1;
	s10 =	sld [smem:$0x3FBA];
	_ =	sdelay $0x3  }
0x34: {  	[smem:$0x3FBA] =	sst s10  }
0x35: {  	s10 =	sld [smem:$0x3FB9];
	_ =	sdelay $0x3  }
0x36: {  	p1 =	seq.s32 s10, $0x1;
	s10 =	sld [smem:$0x3FBA];
	_ =	sdelay $0x3  }
0x37: {  	[smem:$0x3FBA] =	sst s10  }
0x38: {  	s10 =	sld [smem:$0x3FBB]  }
0x39: {  	_ = 	snop;
	(pc) =	sbr.ind lr, $3  }
0x3a: {  	_ = 	snop  }
0x3b: {  	_ = 	snop  }
0x3c: {  	p2 =	seq.s32 s10, $0x1;
	s10 =	sld [smem:$0x3FBA]  }
0x3d: {  	_ =	shalt  }
0x3e: {  	_ =	shalt  }
0x3f: {  	_ =	shalt  }
0x40: {  	_ =	shalt  }
0x41: {  	_ =	shalt  }
0x42: {  	_ =	shalt  }
0x43: {  	_ =	shalt  }
0x44: {  	_ =	shalt  }
0x45: {  	_ =	shalt  }
0x46: {  	_ =	shalt  }
0x47: {  	_ =	shalt  }
0x48: {  	_ =	shalt  }
0x49: {  	_ =	shalt  }
0x4a: {  	_ =	shalt  }
0x4b: {  	_ =	shalt  }
0x4c: {  	_ =	shalt  }
0x4d: {  	_ =	shalt  }
0x4e: {  	_ =	shalt  }
0x4f: {  	_ =	shalt  }
0x50: {  	_ =	shalt  }
0x51: {  	_ =	shalt  }
0x52: {  	_ =	shalt  }
0x53: {  	_ =	shalt  }
0x54: {  	_ =	shalt  }
0x55: {  	_ =	shalt  }
0x56: {  	_ =	shalt  }
0x57: {  	_ =	shalt  }
0x58: {  	_ =	shalt  }
0x59: {  	_ =	shalt  }
0x5a: {  	_ =	shalt  }
0x5b: {  	_ =	shalt  }
0x5c: {  	_ =	shalt  }
0x5d: {  	_ =	shalt  }
0x5e: {  	_ =	shalt  }
0x5f: {  	_ =	shalt  }
0x60: {  	_ =	shalt  }
0x61: {  	_ =	shalt  }
0x62: {  	_ =	shalt  }
0x63: {  	_ =	shalt  }
0x64: {  	_ =	shalt  }
0x65: {  	_ =	shalt  }
0x66: {  	_ =	shalt  }
0x67: {  	_ =	shalt  }
0x68: {  	_ =	shalt  }
0x69: {  	_ =	shalt  }
0x6a: {  	_ =	shalt  }
0x6b: {  	_ =	shalt  }
0x6c: {  	_ =	shalt  }
0x6d: {  	_ =	shalt  }
0x6e: {  	_ =	shalt  }
0x6f: {  	_ =	shalt  }
0x70: {  	_ =	shalt  }
0x71: {  	_ =	shalt  }
0x72: {  	_ =	shalt  }
0x73: {  	_ =	shalt  }
0x74: {  	_ =	shalt  }
0x75: {  	_ =	shalt  }
0x76: {  	_ =	shalt  }
0x77: {  	_ =	shalt  }
0x78: {  	_ =	shalt  }
0x79: {  	_ =	shalt  }
0x7a: {  	_ =	shalt  }
0x7b: {  	_ =	shalt  }
0x7c: {  	_ =	shalt  }
0x7d: {  	_ =	shalt  }
0x7e: {  	_ =	shalt  }
0x7f: {  	_ =	shalt  }
0x80: {  	_ =	shalt  }
0x81: {  	_ =	shalt  }
0x82: {  	_ =	shalt  }
0x83: {  	_ =	shalt  }
0x84: {  	_ =	shalt  }
0x85: {  	_ =	shalt  }
0x86: {  	_ =	shalt  }
0x87: {  	_ =	shalt  }
.Lfunc_end0:
.L_simem_size_0:
called_computation_lowered:
.L_overlay_start_0:
0x88: {  	s2 =	sld [smem:$0x3FD9]  }
0x89: {  	s3 =	sld [smem:$0x3FFE];
	_ =	sdelay $0x1  }
0x8a: {  	s1 =	srdreg.scid  }
0x8b: {  	s0 =	sand.u32 $0x1, s1  }
0x8c: {  	s17 =	sshll.u32 s0, $0xA;
	s2 =	sadd.s32 s3, s2  }
0x8d: {  	s2 =	sadd.s32 s2, s17  }
0x8e: {  	[smem:$0x3FC6] =	sst s2  }
0x8f: {  	_ = 	snop  }
0x90: {  	s2 =	sld [smem:$0x3FC9]  }
0x91: {  	s18 =	sld [smem:$0x3FD0];
	(tm) =	ssettm $0x1  }
0x92: {  	s4 =	sld [smem:$0x3FFB];
	_ =	sdelay $0x3  }
0x93: {  	_ =	strace s4  }
0x94: {  	s4 =	sld [smem:$0x3FFC];
	_ =	sdelay $0x3  }
0x95: {  	_ =	strace s4  }
0x96: {  	s4 =	sld [smem:$0x3FFD];
	_ =	sdelay $0x3  }
0x97: {  	_ =	strace s4  }
0x98: {  	_ =	strace $0x8FFFFFFF  }
0x99: {  	s19 =	sld [smem:$0x3FDB];
	_ =	sdelay $0x1  }
0x9a: {  	s5 =	simm.s32 $_scs_section_size  }
0x9b: {  	s6 =	simm.s32 $_size__tile_overlayer_lowered;
	s7 =	simm.s32 $_tile_overlayer_lowered  }
0x9c: {  	s22 =	simm.s32 $0x1BFF;
	s21 =	sshll.u32 s7, $0x1;
	s4 =	sadd.s32 s5, s19  }
0x9d: {  	s8 =	simm.s32 $0x0;
	s20 =	sshll.u32 s6, $0x1;
	s6 =	sadd.s32 s21, s4  }
0x9e: {  	[timem:s8], [sflag:s22] =	dma.local [hbm:s6], s20  }
0x9f: {  	_ =	swait.ge [sflag:s22], s20  }
0xa0: {  	s5 =	ssub.s32 $0x0, s20;
	[sflag:s22] =	ssyncset.done $0x0  }
0xa1: {  	[sflag:s22] =	ssyncadd.s32 s5;
	_ =	sdelay $0x1  }
0xa2: {  	s23 =	simm.s32 $0x1B8B  }
0xa3: {  	_ =	swait.ge [sflag:s23], $0x1  }
0xa4: {  	[sflag:s23] =	ssyncset.done $0x0  }
0xa5: {  	s25 =	simm.s32 $0x1B8E;
	s24 =	sld [smem:$0x3FFE];
	[sflag:s23] =	ssyncadd.s32 $0xFFFFFFFF  }
0xa6: {  	s26 =	simm.s32 $execute0_lowered;
	[smem:$0x3FD2] =	sst s25  }
0xa7: {  	s6 =	sshll.u32 s26, $0x1;
	_ =	strace $0x80000046;
	[dreg:$0x1] =	wrdreg $0xFFFFFFFF  }
0xa8: {  	s28 =	simm.s32 $_size_execute0_lowered;
	s4 =	sadd.s32 s4, s6;
	[dreg:$0x0] =	wrdreg $0x0  }
0xa9: {  	s6 =	sshll.u32 s28, $0x1;
	[dreg:$0x2] =	wrdreg s4  }
0xaa: {  	[dreg:$0x3] =	wrdreg s6  }
0xab: {  	[dreg:$0x4] =	wrdreg $0xC0  }
0xac: {  	_ =	task [dreg:s8], $0x5FFFF  }
0xad: {  	[dreg:$0x1] =	wrdreg $0xFFFFFFFF  }
0xae: {  	[dreg:$0x0] =	wrdreg $0x60  }
0xaf: {  	[dreg:$0x2] =	wrdreg s2  }
0xb0: {  	[dreg:$0x3] =	wrdreg s24  }
0xb1: {  	[dreg:$0x4] =	wrdreg s18  }
0xb2: {  	[dreg:$0x5] =	wrdreg $0x9  }
0xb3: {  	_ =	task.clear_ibuf [dreg:s8], $0x6FFFF;
	_ =	strace $0x90000046  }
0xb4: {  	s29 =	simm.s32 $0x9;
	_ =	strace $0x80000048  }
0xb5: {  	_ =	swait.ge [sflag:s29], $0x1  }
0xb6: {  	[sflag:s29] =	ssyncadd.s32 $0xFFFFFFFF  }
0xb7: {  	_ =	strace $0x90000048  }
0xb8: {  	_ =	sfence  }
0xb9: {  	s30 =	sld [smem:$0x0];
	_ =	sdelay $0x2  }
0xba: {  	s31 =	sshll.u32 s1, $0xD;
	s1 =	sshrl.u32 s1, $0x2  }
0xbb: {  	s3 =	sand.u32 $0x4000, s31;
	s1 =	sadd.s32 s1, s30  }
0xbc: {  	s0 =	sor.u32 s3, s0;
	s1 =	sshll.u32 s1, $0x11  }
0xbd: {  	s0 =	sor.u32 s1, s0  }
0xbe: {  	s0 =	sadd.s32 $0x8F2B, s0  }
0xbf: {  	[sflag:s0] =	ssyncadd.remote.s32 $0x1  }
0xc0: {  	_ =	sfence.sel $0xFFFF  }
0xc1: {  	[dreg:$0x0] =	wrdreg $0xFFFFFFFF;
	(pc) =	sbr.abs _section_cstart, $3  }
0xc2: {  	[dreg:$0x1] =	wrdreg $0xFFFFFFFF  }
0xc3: {  	_ =	task.clear_ibuf [dreg:s8], $0x2FFFF;
	_ =	strace $0x9FFFFFFF  }
0xc4: {  	(tm) =	ssettm $0x7FFFFFFF  }
0xc5: {  	_ =	shalt  }
tec
execute0_lowered:
.L_overlay_start_1:
0x0: {  	(tag) =	ssettag $0x1  }
0x1: {  	v0 =	vimm.s32 $0x6E645A50  }
0x2: {  	v1 =	vlaneseq.u32;
	v3 =	vimm.s32 $0x463C3228;
	v4 =	vimm.s32 $0x1E140A00  }
0x3: {  	vm0 =	vcmask $0x1F10;
	v6 =	vimm.s32 $0x1F150B01;
	v8 =	vimm.s32 $0x483E342A  }
0x4: {  	v9 =	vimm.s32 $0x71675D53;
	v10 =	vimm.s32 $0x190F057B;
	v11 =	vimm.s32 $0x21170D03  }
0x5: {  	v12 =	vimm.s32 $0x493F352B;
	v15 =	vimm.s32 $0x4B41372D;
	v17 =	vimm.s32 $0x746A6056  }
0x6: {  	v18 =	vimm.s32 $0x1C12087E;
	v19 =	vimm.s32 $0x241A1006;
	v20 =	vimm.s32 $0x4C42382E  }
0x7: {  	v2 =	vunpack.c.0.s8.s32 v0;
	v0 =	vimm.s32 $0x160C0278;
	v3 =	vunpack.c.0.s8.s32 v3  }
0x8: {  	v14 =	vunpack.c.0.s8.s32 v4;
	v16 =	vunpack.c.0.s8.s32 v6;
	v6 =	vimm.s32 $0x180E047A  }
0x9: {  	v8 =	vunpack.c.0.s8.s32 v8;
	v9 =	vunpack.c.0.s8.s32 v9;
	v10 =	vunpack.c.0.s8.s32 v10  }
0xa: {  	v11 =	vunpack.c.0.s8.s32 v11;
	v12 =	vunpack.c.0.s8.s32 v12;
	v15 =	vunpack.c.0.s8.s32 v15  }
0xb: {  	v5 =	vunpack.c.0.s8.s32 v0;
	v0 =	vmul.u32 $0xA, v1;
	v1 =	vimm.s32 $0x6F655B51  }
0xc: {  	v17 =	vunpack.c.0.s8.s32 v17;
	v4 =	vunpack.c.0.s8.s32 v1;
	v1 =	vimm.s32 $0x170D0379  }
0xd: {  	v2 =	vsel vm0, v5, v2;
	v5 =	vimm.s32 $0x473D3329;
	v7 =	vunpack.c.0.s8.s32 v1  }
0xe: {  	v18 =	vunpack.c.0.s8.s32 v18;
	v3 =	vsel vm0, v3, v14;
	v5 =	vunpack.c.0.s8.s32 v5  }
0xf: {  	v19 =	vunpack.c.0.s8.s32 v19;
	v1 =	vcombine.low v3, v2;
	v3 =	vsel vm0, v7, v4  }
0x10: {  	v7 =	vimm.s32 $0x20160C02;
	v4 =	vsel vm0, v5, v16;
	v5 =	vimm.s32 $0x70665C52  }
0x11: {  	v6 =	vunpack.c.0.s8.s32 v6;
	v7 =	vunpack.c.0.s8.s32 v7;
	v5 =	vunpack.c.0.s8.s32 v5  }
0x12: {  	v20 =	vunpack.c.0.s8.s32 v20;
	v2 =	vor.u32 $0x1, v0;
	v3 =	vcombine.low v4, v3  }
0x13: {  	v5 =	vsel vm0, v6, v5;
	v6 =	vsel vm0, v8, v7;
	v7 =	vimm.s32 $0x72685E54  }
0x14: {  	v8 =	vsel vm0, v10, v9;
	v9 =	vsel vm0, v12, v11;
	v11 =	vimm.s32 $0x22180E04  }
0x15: {  	v12 =	vimm.s32 $0x4A40362C;
	v10 =	vunpack.c.0.s8.s32 v7;
	v7 =	vimm.s32 $0x1A10067C  }
0x16: {  	v11 =	vunpack.c.0.s8.s32 v11;
	v12 =	vunpack.c.0.s8.s32 v12;
	v13 =	vunpack.c.0.s8.s32 v7  }
0x17: {  	v4 =	vadd.s32 $0x2, v0;
	v5 =	vcombine.low v6, v5;
	v6 =	vadd.s32 $0x3, v0  }
0x18: {  	v7 =	vcombine.low v9, v8;
	v9 =	vsel vm0, v13, v10;
	v10 =	vsel vm0, v12, v11  }
0x19: {  	v11 =	vimm.s32 $0x73695F55;
	v12 =	vimm.s32 $0x1B11077D;
	v13 =	vimm.s32 $0x23190F05  }
0x1a: {  	v11 =	vunpack.c.0.s8.s32 v11;
	v12 =	vunpack.c.0.s8.s32 v12;
	v13 =	vunpack.c.0.s8.s32 v13  }
0x1b: {  	v8 =	vadd.s32 $0x4, v0;
	v9 =	vcombine.low v10, v9;
	v10 =	vadd.s32 $0x5, v0  }
0x1c: {  	v11 =	vsel vm0, v12, v11;
	v12 =	vsel vm0, v15, v13;
	v13 =	vimm.s32 $0x756B6157  }
0x1d: {  	v15 =	vsel vm0, v18, v17;
	v17 =	vsel vm0, v20, v19;
	v18 =	vimm.s32 $0x1D13097F  }
0x1e: {  	s0 =	srdreg.scid;
	s3 =	rddreg [dreg:$0x0];
	v19 =	vimm.s32 $0x251B1107;
	v20 =	vimm.s32 $0x4D43392F;
	v13 =	vunpack.c.0.s8.s32 v13  }
0x1f: {  	s2 =	stileid.u32;
	s1 =	rddreg [dreg:$0x1];
	v18 =	vunpack.c.0.s8.s32 v18;
	v19 =	vunpack.c.0.s8.s32 v19;
	v20 =	vunpack.c.0.s8.s32 v20  }
0x20: {  	s5 =	simm.s32 $0x0;
	s10 =	simm.s32 $0xC000;
	s0 =	sand.u32 $0x1, s0;
	v11 =	vcombine.low v12, v11;
	v12 =	vcombine.low v17, v15;
	v15 =	vimm.s32 $0x766C6258  }
0x21: {  	s14 =	simm.s32 $0x5000;
	s2 =	sshll.u32 s2, $0x8;
	s4 =	sshll.u32 s0, $0x7;
	v15 =	vunpack.c.0.s8.s32 v15;
	v13 =	vsel vm0, v18, v13;
	v17 =	vsel vm0, v20, v19  }
0x22: {  	[smem:$0x7FF] =	sst s5;
	s0 =	ssub.s32 $0x2, s0;
	s2 =	sor.u32 s4, s2;
	v18 =	vimm.s32 $0x4E443A30;
	v20 =	vimm.s32 $0x4F453B31;
	v13 =	vcombine.low v17, v13  }
0x23: {  	s6 =	sshrl.u32 s0, $0x1;
	[dreg:$0x4] =	wrdreg s2;
	s2 =	sshrl.u32 s2, $0x3;
	v17 =	vimm.s32 $0x261C1208;
	v19 =	vsel vm0, v14, v15;
	v14 =	vimm.s32 $0x776D6359  }
0x24: {  	s1 =	sadd.s32 $0x400, s1;
	s0 =	ssub.s32 s0, s6;
	s2 =	smul.u32 $0x5000, s2;
	v15 =	vunpack.c.0.s8.s32 v17;
	v17 =	vunpack.c.0.s8.s32 v18;
	v18 =	vimm.s32 $0x271D1309  }
0x25: {  	_ =	strace $0x80000047;
	[dreg:$0x5] =	wrdreg s1;
	s0 =	smax.u32 s0, $0x1;
	v20 =	vunpack.c.0.s8.s32 v20;
	v21 =	vunpack.c.0.s8.s32 v14;
	v18 =	vunpack.c.0.s8.s32 v18  }
0x26: {  	s15 =	simm.s32 $0x1;
	[dreg:$0x8] =	wrdreg s0;
	s31 =	sadd.s32 s3, s2;
	v14 =	vadd.s32 $0x6, v0;
	v17 =	vsel vm0, v17, v15;
	v15 =	vadd.s32 $0x7, v0  }
0x27: {  	s17 =	simm.s32 $0x2;
	[dreg:$0x6] =	wrdreg s31;
	s1 =	sadd.s32 $0x10, s31;
	v21 =	vsel vm0, v16, v21;
	v16 =	vadd.s32 $0x8, v0;
	v20 =	vsel vm0, v20, v18  }
0x28: {  	s4 =	smov.u32 s3;
	s2 =	simm.s32 $0x0;
	[dreg:$0x7] =	wrdreg s1;
	v17 =	vcombine.low v17, v19;
	v18 =	vadd.s32 $0x9, v0;
	v19 =	vcombine.low v20, v21  }
.LBB2_1:
0x29: {  	[dreg:$0x9] =	wrdreg s2  }
0x2a: {  	s0 =	rddreg [dreg:$0x5];
	s28 =	simm.s32 $0x5  }
0x2b: {  	[tilespmem:s10], [sflag:$0x5] =	stream.linear.gather [hbm4b:s0+s5], $0x800, $0x38;
	[tilespmem:$0xC800] =	vst v63  }
0x2c: {  	_ =	swait.ge [sflag:s28], $0x800  }
0x2d: {  	s1 =	simm.s32 $0x80;
	[sflag:s28] =	ssyncset.done $0x0  }
0x2e: {  	s30 =	simm.s32 $0x400;
	s29 =	rddreg [dreg:$0x6];
	[sflag:s28] =	ssyncadd.s32 $0xFFFFF800  }
0x2f: {  	[tilespmem:s5], [sflag:$0x1] =	stream.strided.gather [hbm4b:s29+s1], $0x5000, s30, s1, $0x38;
	[tilespmem:$0xC800] =	vst v63  }
0x30: {  	s22 =	simm.s32 $0x0;
	s31 =	rddreg [dreg:$0x7]  }
0x31: {  	[tilespmem:s14], [sflag:$0x2] =	stream.strided.gather [hbm4b:s31+s1], $0x5000, s30, s1, $0x38;
	[tilespmem:$0xC800] =	vst v63  }
.LBB2_2:
0x32: {  	_ =	swait.ge [sflag:s15], $0x5000;
	s0 =	simm.s32 $0x1E0  }
0x33: {  	p1 =	seq.s32 s22, $0x0;
	s2 =	simm.s32 $0xA0;
	[sflag:s15] =	ssyncset.done $0x0;
	v20 =	vadd.s32 s0, v0  }
0x34: {  	s1 =	simm.s32 $0x0;
	s6 =	simm.s32 @!p1 $0x3;
	v22 =	vadd.s32 s2, v0;
	[sflag:s15] =	ssyncadd.s32 $0xFFFFB000  }
0x35: {  	s20 =	simm.s32 $0x140;
	v21 =	vadd.s32 s1, v15;
	v23 =	vadd.s32 s2, v2;
	_ =	swait.ge @!p1 [sflag:s6], $0x1000  }
0x36: {  	v24 =	vadd.s32 s1, v4;
	v25 =	vadd.s32 s1, v0;
	v33 =	vadd.s32 s20, v0;
	[sflag:s6] =	ssyncset.done @!p1 $0x0  }
0x37: {  	v26 =	vadd.s32 s1, v2;
	v27 =	vadd.s32 s1, v6;
	v36 =	vadd.s32 s20, v2;
	[sflag:s6] =	ssyncadd.s32 @!p1 $0xFFFFF000  }
0x38: {  	v28 =	vadd.s32 s1, v8;
	v29 =	vadd.s32 s1, v10;
	v42 =	vadd.s32 s20, v8;
	v20 =	vld.idx.msk [tilespmem:v20+s5+$0x0], $0xffff  }
0x39: {  	v30 =	vadd.s32 s1, v14;
	v31 =	vadd.s32 s1, v16;
	v43 =	vadd.s32 s0, v6;
	v22 =	vld.idx.msk [tilespmem:v22+s5+$0x0], $0xffff  }
0x3a: {  	v32 =	vadd.s32 s1, v18;
	v34 =	vadd.s32 s0, v2;
	v48 =	vadd.s32 s2, v14;
	v23 =	vld.idx.msk [tilespmem:v23+s5+$0x0], $0xffff  }
0x3b: {  	v35 =	vadd.s32 s0, v4;
	v49 =	vadd.s32 s20, v14;
	v21 =	vand.u32 $0xFF80, v21;
	v33 =	vld.idx.msk [tilespmem:v33+s5+$0x0], $0xffff  }
0x3c: {  	v37 =	vadd.s32 s2, v4;
	v24 =	vand.u32 $0xFF80, v24;
	v21 =	vor.u32 v13, v21;
	v36 =	vld.idx.msk [tilespmem:v36+s5+$0x0], $0xffff  }
0x3d: {  	v38 =	vadd.s32 s2, v6;
	v25 =	vand.u32 $0xFF80, v25;
	v24 =	vor.u32 v5, v24;
	v52 =	vld.idx.msk [tilespmem:v42+s5+$0x0], $0xffff  }
0x3e: {  	v39 =	vadd.s32 s2, v8;
	v26 =	vand.u32 $0xFF80, v26;
	v25 =	vor.u32 v1, v25;
	v56 =	vld.idx.msk [tilespmem:v43+s5+$0x0], $0xffff  }
0x3f: {  	v40 =	vadd.s32 s20, v4;
	v27 =	vand.u32 $0xFF80, v27;
	v26 =	vor.u32 v3, v26;
	v61 =	vld.idx.msk [tilespmem:v48+s5+$0x0], $0xffff  }
0x40: {  	v41 =	vadd.s32 s20, v6;
	v28 =	vand.u32 $0xFF80, v28;
	v27 =	vor.u32 v7, v27;
	v62 =	vld.idx.msk [tilespmem:v49+s5+$0x0], $0xffff  }
0x41: {  	v44 =	vadd.s32 s0, v8;
	v29 =	vand.u32 $0xFF80, v29;
	v28 =	vor.u32 v9, v28;
	v21 =	vld.idx.msk [tilespmem:v21+s5+$0x0], $0xffff  }
0x42: {  	v45 =	vadd.s32 s2, v10;
	v30 =	vand.u32 $0xFF80, v30;
	v29 =	vor.u32 v11, v29;
	v24 =	vld.idx.msk [tilespmem:v24+s5+$0x0], $0xffff  }
0x43: {  	v46 =	vadd.s32 s20, v10;
	v31 =	vand.u32 $0xFF80, v31;
	v30 =	vor.u32 v12, v30;
	v25 =	vld.idx.msk [tilespmem:v25+s5+$0x0], $0xffff  }
0x44: {  	v47 =	vadd.s32 s0, v10;
	v32 =	vand.u32 $0xFF80, v32;
	v31 =	vor.u32 v17, v31;
	v26 =	vld.idx.msk [tilespmem:v26+s5+$0x0], $0xffff  }
0x45: {  	v50 =	vadd.s32 s0, v14;
	v51 =	vadd.s32 s2, v15;
	v32 =	vor.u32 v19, v32;
	v27 =	vld.idx.msk [tilespmem:v27+s5+$0x0], $0xffff  }
0x46: {  	v63 =	vadd.s32 s20, v16;
	v53 =	vadd.s32 s0, v15;
	v54 =	vadd.s32 s0, v16;
	v28 =	vld.idx.msk [tilespmem:v28+s5+$0x0], $0xffff  }
0x47: {  	s23 =	simm.s32 $0x280;
	v57 =	vadd.s32 s2, v18;
	v59 =	vadd.s32 s20, v18;
	v60 =	vadd.s32 s0, v18;
	v29 =	vld.idx.msk [tilespmem:v29+s5+$0x0], $0xffff  }
0x48: {  	v48 =	vadd.s32 s23, v4;
	v49 =	vadd.s32 s23, v0;
	v30 =	vld.idx.msk [tilespmem:v30+s5+$0x0], $0xffff;
	v22 =	vshll.u32 v22, $0x2  }
0x49: {  	v31 =	vld.idx.msk [tilespmem:v31+s5+$0x0], $0xffff;
	v23 =	vshll.u32 v23, $0x1;
	v33 =	vshll.u32 v33, $0x2;
	v36 =	vshll.u32 v36, $0x1  }
0x4a: {  	v32 =	vld.idx.msk [tilespmem:v32+s5+$0x0], $0xffff;
	v20 =	vshll.u32 v20, $0x2;
	v22 =	vadd.s32 v22, v23;
	v33 =	vadd.s32 v33, v36  }
0x4b: {  	v23 =	vld.idx.msk [tilespmem:v44+s5+$0x0], $0xffff;
	v36 =	vand.u32 $0xFF80, v49;
	v25 =	vshll.u32 v25, $0x2;
	v26 =	vshll.u32 v26, $0x1  }
0x4c: {  	v21 =	vshll.u32 v21, $0x3;
	v36 =	vor.u32 v1, v36;
	v25 =	vadd.s32 v25, v26;
	v26 =	vld.idx.msk [tilespmem:v34+s5+$0x0], $0xffff  }
0x4d: {  	v24 =	vadd.s32 v24, v25;
	v25 =	vshll.u32 v27, $0x3;
	v27 =	vshll.u32 v28, $0x2;
	v28 =	vld.idx.msk [tilespmem:v37+s5+$0x0], $0xffff  }
0x4e: {  	v24 =	vshll.u32 v24, $0x4;
	v25 =	vadd.s32 v27, v25;
	v27 =	vshll.u32 v29, $0x1;
	v29 =	vld.idx.msk [tilespmem:v38+s5+$0x0], $0xffff  }
0x4f: {  	v34 =	vadd.s32 s2, v16;
	v24 =	vadd.s32 v25, v24;
	v25 =	vadd.s32 v27, v30;
	v27 =	vld.idx.msk [tilespmem:v39+s5+$0x0], $0xffff  }
0x50: {  	v30 =	vld.idx.msk [tilespmem:v40+s5+$0x0], $0xffff;
	v23 =	vshll.u32 v23, $0x2;
	v24 =	vadd.s32 v24, v25;
	v25 =	vshll.u32 v31, $0x2  }
0x51: {  	v24 =	vshll.u32 v24, $0x4;
	v21 =	vadd.s32 v25, v21;
	v25 =	vld.idx.msk [tilespmem:v41+s5+$0x0], $0xffff;
	v26 =	vshll.u32 v26, $0x1  }
0x52: {  	s24 =	simm.s32 $0x320;
	v31 =	vadd.s32 s20, v15;
	v21 =	vadd.s32 v21, v24;
	v20 =	vadd.s32 v20, v26;
	v26 =	vld.idx.msk [tilespmem:v46+s5+$0x0], $0xffff  }
0x53: {  	v24 =	vshll.u32 v32, $0x1;
	v22 =	vadd.s32 v28, v22;
	v46 =	vadd.s32 s24, v0;
	v32 =	vld.idx.msk [tilespmem:v36+s5+$0x0], $0xffff  }
0x54: {  	v21 =	vadd.s32 v24, v21;
	v24 =	vld.idx.msk [tilespmem:v35+s5+$0x0], $0xffff;
	v28 =	vshll.u32 v29, $0x3;
	v22 =	vshll.u32 v22, $0x4  }
0x55: {  	v29 =	vld.idx.msk [tilespmem:v47+s5+$0x0], $0xffff;
	v47 =	vadd.s32 s24, v2;
	v35 =	vand.u32 $0xFF80, v48;
	v55 =	vor.u32 $0x1, v21  }
0x56: {  	v58 =	vld.idx.msk [tilespmem:v45+s5+$0x0], $0xffff;
	v27 =	vshll.u32 v27, $0x2;
	v30 =	vadd.s32 v30, v33;
	v35 =	vor.u32 v5, v35  }
0x57: {  	v34 =	vld.idx.msk [tilespmem:v34+s5+$0x0], $0xffff;
	v27 =	vadd.s32 v27, v28;
	v28 =	vshll.u32 v52, $0x2;
	v25 =	vshll.u32 v25, $0x3  }
0x58: {  	s21 =	simm.s32 $0x460;
	v30 =	vshll.u32 v30, $0x4;
	v52 =	vadd.s32 s23, v6;
	v25 =	vadd.s32 v28, v25;
	v28 =	vld.idx.msk [tilespmem:v51+s5+$0x0], $0xffff  }
0x59: {  	v22 =	vadd.s32 v27, v22;
	v51 =	vadd.s32 s23, v2;
	v33 =	vld.idx.msk [tilespmem:v46+s5+$0x0], $0xffff;
	v46 =	vadd.s32 s21, v4  }
0x5a: {  	v27 =	vld.idx.msk [tilespmem:v50+s5+$0x0], $0xffff;
	v32 =	vshll.u32 v32, $0x2;
	v20 =	vadd.s32 v24, v20;
	v24 =	vshll.u32 v56, $0x3  }
0x5b: {  	v31 =	vld.idx.msk [tilespmem:v31+s5+$0x0], $0xffff;
	v25 =	vadd.s32 v25, v30;
	v38 =	vand.u32 $0xFF80, v51;
	v20 =	vshll.u32 v20, $0x4  }
0x5c: {  	v63 =	vld.idx.msk [tilespmem:v63+s5+$0x0], $0xffff;
	v23 =	vadd.s32 v23, v24;
	v24 =	vshll.u32 v58, $0x1;
	v38 =	vor.u32 v3, v38  }
0x5d: {  	v30 =	vld.idx.msk [tilespmem:v53+s5+$0x0], $0xffff;
	v23 =	vadd.s32 v23, v20;
	v20 =	vadd.s32 v24, v61;
	v24 =	vshll.u32 v26, $0x1  }
0x5e: {  	v26 =	vshll.u32 v29, $0x1;
	v20 =	vadd.s32 v22, v20;
	v22 =	vld.idx.msk [tilespmem:v21+s10+$0x0], $0xffff;
	v21 =	vadd.s32 v24, v62  }
0x5f: {  	v35 =	vld.idx.msk [tilespmem:v35+s5+$0x0], $0xffff;
	v24 =	vadd.s32 v26, v27;
	v26 =	vshll.u32 v34, $0x2;
	v21 =	vadd.s32 v25, v21  }
0x60: {  	v27 =	vld.idx.msk [tilespmem:v54+s5+$0x0], $0xffff;
	v25 =	vshll.u32 v28, $0x3;
	v28 =	vshll.u32 v31, $0x3;
	v31 =	vadd.s32 s21, v0  }
0x61: {  	v34 =	vld.idx.msk [tilespmem:v47+s5+$0x0], $0xffff;
	v29 =	vshll.u32 v20, $0x4;
	v23 =	vadd.s32 v23, v24;
	v24 =	vshll.u32 v21, $0x4  }
0x62: {  	v20 =	vld.idx.msk [tilespmem:v55+s10+$0x0], $0xffff;
	v21 =	vshll.u32 v23, $0x4;
	v23 =	vadd.s32 v26, v25;
	v25 =	vadd.s32 s23, v15  }
0x63: {  	v53 =	vadd.s32 s23, v8;
	v62 =	vadd.s32 s23, v18;
	v26 =	vld.idx.msk [tilespmem:v59+s5+$0x0], $0xffff;
	v25 =	vand.u32 $0xFF80, v25  }
0x64: {  	v55 =	vadd.s32 s23, v10;
	v45 =	vand.u32 $0xFF80, v62;
	v38 =	vld.idx.msk [tilespmem:v38+s5+$0x0], $0xffff;
	v50 =	vor.u32 v13, v25  }
0x65: {  	v59 =	vadd.s32 s23, v16;
	v45 =	vor.u32 v19, v45;
	v40 =	vld.idx.msk [tilespmem:v31+s5+$0x0], $0xffff;
	v31 =	vand.u32 $0xFF80, v52  }
0x66: {  	v46 =	vld.idx.msk [tilespmem:v46+s5+$0x0], $0xffff;
	v23 =	vadd.s32 v23, v29;
	v54 =	vor.u32 v7, v31;
	v31 =	vand.u32 $0xFF80, v53  }
0x67: {  	v29 =	vld.idx.msk [tilespmem:v57+s5+$0x0], $0xffff;
	v57 =	vadd.s32 s23, v14;
	v56 =	vor.u32 v9, v31;
	v31 =	vand.u32 $0xFF80, v55  }
0x68: {  	v61 =	vand.u32 $0xFF80, v59;
	v25 =	vld.idx.msk [tilespmem:v60+s5+$0x0], $0xffff;
	v39 =	vand.u32 $0xFF80, v57;
	v58 =	vor.u32 v11, v31  }
0x69: {  	v60 =	vor.u32 v12, v39;
	v39 =	vor.u32 v17, v61;
	v38 =	vshll.u32 v38, $0x1;
	v37 =	vld.idx.msk [tilespmem:v50+s5+$0x0], $0xffff  }
0x6a: {  	s7 =	simm.s32 $0x3C0;
	v44 =	vadd.s32 s21, v2;
	v49 =	vadd.s32 s24, v4;
	v32 =	vadd.s32 v32, v38;
	v38 =	vld.idx.msk [tilespmem:v45+s5+$0x0], $0xffff  }
0x6b: {  	v48 =	vadd.s32 s7, v2;
	v31 =	vshll.u32 v63, $0x2;
	v63 =	vadd.s32 s7, v0;
	v41 =	vld.idx.msk [tilespmem:v54+s5+$0x0], $0xffff  }
0x6c: {  	v51 =	vadd.s32 s24, v8;
	v33 =	vshll.u32 v33, $0x2;
	v30 =	vshll.u32 v30, $0x3;
	v42 =	vld.idx.msk [tilespmem:v56+s5+$0x0], $0xffff  }
0x6d: {  	v59 =	vadd.s32 s21, v10;
	v57 =	vadd.s32 s24, v10;
	v61 =	vadd.s32 s7, v14;
	v43 =	vld.idx.msk [tilespmem:v58+s5+$0x0], $0xffff  }
0x6e: {  	v34 =	vshll.u32 v34, $0x1;
	v27 =	vshll.u32 v27, $0x2;
	v50 =	vadd.s32 s24, v6;
	v39 =	vld.idx.msk [tilespmem:v39+s5+$0x0], $0xffff  }
0x6f: {  	v52 =	vadd.s32 s7, v4;
	v33 =	vadd.s32 v33, v34;
	v27 =	vadd.s32 v27, v30;
	v36 =	vld.idx.msk [tilespmem:v60+s5+$0x0], $0xffff  }
0x70: {  	v53 =	vadd.s32 s7, v6;
	v26 =	vshll.u32 v26, $0x1;
	v21 =	vadd.s32 v27, v21;
	v47 =	vld.idx.msk [tilespmem:v63+s5+$0x0], $0xffff  }
0x71: {  	v55 =	vadd.s32 s21, v6;
	v32 =	vadd.s32 v35, v32;
	v62 =	vshll.u32 v42, $0x2;
	v42 =	vld.idx.msk [tilespmem:v48+s5+$0x0], $0xffff  }
0x72: {  	v54 =	vadd.s32 s7, v8;
	v45 =	vshll.u32 v41, $0x3;
	v63 =	vshll.u32 v43, $0x1;
	v43 =	vld.idx.msk [tilespmem:v44+s5+$0x0], $0xffff  }
0x73: {  	v41 =	vadd.s32 s24, v15;
	v35 =	vadd.s32 v62, v45;
	v62 =	vshll.u32 v39, $0x2;
	v39 =	vld.idx.msk [tilespmem:v50+s5+$0x0], $0xffff  }
0x74: {  	s25 =	sshll.u32 s22, $0x1;
	v29 =	vshll.u32 v29, $0x1;
	v25 =	vshll.u32 v25, $0x1;
	v48 =	vadd.s32 v63, v36;
	v36 =	vld.idx.msk [tilespmem:v49+s5+$0x0], $0xffff  }
0x75: {  	s26 =	simm.s32 $0x0;
	p0 =	por $0x0, $0x0;
	s11 =	simm.s32 $0x1;
	v60 =	vadd.s32 s24, v14;
	v32 =	vshll.u32 v32, $0x4;
	v49 =	vshll.u32 v37, $0x3;
	v37 =	vld.idx.msk [tilespmem:v51+s5+$0x0], $0xffff  }
0x76: {  	s12 =	simm.s32 $0x0;
	s19 =	simm.s32 $0x20;
	s31 =	simm.s32 $0x4;
	v28 =	vadd.s32 v31, v28;
	v32 =	vadd.s32 v35, v32;
	v63 =	vshll.u32 v38, $0x1;
	v38 =	vld.idx.msk [tilespmem:v52+s5+$0x0], $0xffff  }
0x77: {  	s1 =	simm.s32 $0x30;
	s8 =	sand.u32 $0x7, s26;
	s9 =	sand.u32 $0x3, s26;
	v56 =	vadd.s32 s21, v8;
	v32 =	vadd.s32 v32, v48;
	v35 =	vadd.s32 v62, v49;
	v62 =	vld.idx.msk [tilespmem:v54+s5+$0x0], $0xffff  }
0x78: {  	s11 =	simm.s32 @!p0 $0x0;
	s12 =	sand.u32 $0x40, s12;
	s0 =	simm.s32 $0x4;
	v24 =	vadd.s32 v28, v24;
	v44 =	vadd.s32 s21, v14;
	v32 =	vshll.u32 v32, $0x4;
	v28 =	vld.idx.msk [tilespmem:v41+s5+$0x0], $0xffff  }
0x79: {  	p0 =	por !p0, !p0;
	s8 =	sshll.u32 s8, $0x4;
	s9 =	sshll.u32 s9, $0x5;
	v58 =	vadd.s32 s7, v10;
	v45 =	vadd.s32 s24, v16;
	v32 =	vadd.s32 v35, v32;
	v35 =	vld.idx.msk [tilespmem:v53+s5+$0x0], $0xffff  }
0x7a: {  	s11 =	sshll.u32 s11, $0x6;
	s16 =	sadd.s32 $0x0, s8;
	s6 =	sand.u32 $0xF00, s26;
	v50 =	vadd.s32 s21, v15;
	v47 =	vshll.u32 v47, $0x2;
	v51 =	vadd.s32 s21, v16;
	v53 =	vld.idx.msk [tilespmem:v60+s5+$0x0], $0xffff  }
0x7b: {  	s3 =	rddreg [dreg:$0x4];
	s18 =	sadd.s32 $0x10, s16;
	s13 =	sor.u32 $0xA000, s6;
	v42 =	vshll.u32 v42, $0x1;
	v32 =	vadd.s32 v63, v32;
	v63 =	vshll.u32 v40, $0x2;
	v40 =	vld.idx.msk [tilespmem:v55+s5+$0x0], $0xffff  }
0x7c: {  	s26 =	sand.u32 $0x60, s19;
	s19 =	simm.s32 $0x40;
	s8 =	sor.u32 s12, s13;
	v48 =	vadd.s32 s7, v15;
	v49 =	vadd.s32 s7, v16;
	v42 =	vadd.s32 v47, v42;
	v47 =	vld.idx.msk [tilespmem:v56+s5+$0x0], $0xffff  }
0x7d: {  	s12 =	simm.s32 $0x10;
	s28 =	sor.u32 s26, s13;
	s2 =	simm.s32 $0x2;
	v54 =	vadd.s32 s24, v18;
	v43 =	vshll.u32 v43, $0x1;
	v55 =	vadd.s32 s21, v18;
	v44 =	vld.idx.msk [tilespmem:v44+s5+$0x0], $0xffff  }
0x7e: {  	s23 =	sor.u32 s3, s25;
	s3 =	sadd.s32 $0x0, s11;
	s11 =	sadd.s32 $0x0, s9;
	v56 =	vshll.u32 v39, $0x3;
	v60 =	vld.idx.msk [tilespmem:v45+s5+$0x0], $0xffff;
	v52 =	vor.u32 $0x1, v32;
	v34 =	vadd.s32 v63, v43  }
0x7f: {  	s25 =	sor.u32 $0x80, s18;
	s18 =	sand.u32 $0x3, s2;
	s9 =	simm.s32 $0x1;
	v27 =	vld.idx.msk [tilespmem:v50+s5+$0x0], $0xffff;
	v33 =	vadd.s32 v36, v33;
	v36 =	vadd.s32 s7, v18;
	v38 =	vadd.s32 v38, v42  }
0x80: {  	s6 =	sor.u32 $0x80, s3;
	s20 =	sadd.s32 $0x20, s11;
	s9 =	simm.s32 @!p0 $0x0;
	v37 =	vshll.u32 v37, $0x2;
	v42 =	vld.idx.msk [tilespmem:v57+s5+$0x0], $0xffff;
	v33 =	vshll.u32 v33, $0x4;
	v34 =	vadd.s32 v46, v34  }
0x81: {  	s3 =	sadd.s32 $0x30, s16;
	s16 =	sand.u32 $0x7, s31;
	s9 =	sshll.u32 s9, $0x6;
	v38 =	vshll.u32 v38, $0x4;
	v57 =	vshll.u32 v62, $0x2;
	v62 =	vld.idx.msk [tilespmem:v59+s5+$0x0], $0xffff;
	v63 =	vshll.u32 v34, $0x4  }
0x82: {  	s11 =	sand.u32 $0x40, s19;
	s26 =	sor.u32 $0x80, s3;
	[tilespmem:s8+$0x0] =	vst v22;
	s9 =	sadd.s32 $0x80, s9;
	v34 =	vadd.s32 v29, v23;
	v28 =	vshll.u32 v28, $0x3;
	v35 =	vshll.u32 v35, $0x3;
	v43 =	vld.idx.msk [tilespmem:v32+s10+$0x0], $0xffff  }
0x83: {  	[tilespmem:s6+$0xA000] =	vst v20;
	s6 =	simm.s32 $0x6E0;
	s9 =	sor.u32 $0x80, s9;
	s24 =	sor.u32 $0x80, s20;
	v32 =	vadd.s32 v37, v56;
	v35 =	vadd.s32 v57, v35;
	v56 =	vshll.u32 v40, $0x3;
	v39 =	vld.idx.msk [tilespmem:v52+s10+$0x0], $0xffff  }
0x84: {  	s21 =	sand.u32 $0x50, s12;
	s12 =	sand.u32 $0x70, s1;
	s1 =	sshll.u32 s16, $0x4;
	v57 =	vshll.u32 v47, $0x2;
	v52 =	vld.idx.msk [tilespmem:v58+s5+$0x0], $0xffff;
	v46 =	vadd.s32 v32, v33;
	v35 =	vadd.s32 v35, v38  }
0x85: {  	s29 =	sor.u32 s21, s13;
	s30 =	sor.u32 s12, s13;
	s7 =	sshll.u32 s18, $0x5;
	v58 =	vld.idx.msk [tilespmem:v61+s5+$0x0], $0xffff;
	v31 =	vadd.s32 v57, v56;
	v59 =	vshll.u32 v42, $0x1;
	v33 =	vadd.s32 v26, v24  }
0x86: {  	s12 =	simm.s32 $0x70;
	s13 =	simm.s32 $0x80;
	s1 =	sadd.s32 $0x80, s1;
	v29 =	vld.idx.msk [tilespmem:v48+s5+$0x0], $0xffff;
	v30 =	vadd.s32 v31, v63;
	v23 =	vshll.u32 v62, $0x1;
	v62 =	vor.u32 $0x1, v34  }
0x87: {  	s21 =	simm.s32 $0x50;
	s20 =	sand.u32 $0xF00, s13;
	s7 =	sadd.s32 $0x80, s7;
	v63 =	vld.idx.msk [tilespmem:v49+s5+$0x0], $0xffff;
	v31 =	vadd.s32 v25, v21;
	v21 =	vadd.s32 v59, v53;
	v37 =	vor.u32 $0x1, v33  }
0x88: {  	s19 =	sadd.s32 $0x10, s1;
	s16 =	sand.u32 $0x50, s21;
	s1 =	sadd.s32 $0x30, s1;
	v32 =	vor.u32 $0x1, v31;
	v24 =	vadd.s32 v46, v21;
	v21 =	vld.idx.msk [tilespmem:v51+s5+$0x0], $0xffff;
	v23 =	vadd.s32 v23, v44  }
0x89: {  	s18 =	sor.u32 $0xA000, s20;
	s20 =	simm.s32 $0x60;
	s3 =	sadd.s32 $0x20, s7;
	v26 =	vshll.u32 v24, $0x4;
	v24 =	vld.idx.msk [tilespmem:v54+s5+$0x0], $0xffff;
	v20 =	vadd.s32 v30, v23;
	v61 =	vshll.u32 v52, $0x1  }
0x8a: {  	s7 =	sor.u32 $0x80, s19;
	s19 =	sand.u32 $0x70, s12;
	s11 =	sor.u32 s11, s18;
	v30 =	vshll.u32 v60, $0x2;
	v23 =	vld.idx.msk [tilespmem:v36+s5+$0x0], $0xffff;
	v20 =	vshll.u32 v20, $0x4;
	v25 =	vadd.s32 v61, v58  }
0x8b: {  	s20 =	sand.u32 $0x60, s20;
	s8 =	sor.u32 $0x80, s3;
	s16 =	sor.u32 s16, s18;
	[tilespmem:s11+$0x0] =	vst v43;
	v30 =	vadd.s32 v30, v28;
	v28 =	vshll.u32 v29, $0x3;
	v22 =	vadd.s32 v35, v25;
	v35 =	vld.idx.msk [tilespmem:v62+s10+$0x0], $0xffff  }
0x8c: {  	s19 =	sor.u32 s19, s18;
	s21 =	sor.u32 s20, s18;
	[tilespmem:s9+$0xA000] =	vst v39;
	s9 =	sor.u32 $0x80, s1;
	v26 =	vadd.s32 v30, v26;
	v29 =	vshll.u32 v63, $0x2;
	v25 =	vshll.u32 v22, $0x4;
	v22 =	vld.idx.msk [tilespmem:v55+s5+$0x0], $0xffff  }
.LBB2_3:
0x8d: {  	s18 =	sadd.s32 $0xFFFFFE20, s6;
	s20 =	sadd.s32 $0xFFFFFEC0, s6;
	s11 =	sadd.s32 $0xFFFFFF60, s6;
	v36 =	vadd.s32 s6, v0;
	v38 =	vadd.s32 s6, v2;
	v30 =	vadd.s32 s6, v4;
	v37 =	vld.idx.msk [tilespmem:v37+s10+$0x0], $0xffff  }
0x8e: {  	v39 =	vadd.s32 s18, v15;
	v40 =	vadd.s32 s20, v0;
	v41 =	vadd.s32 s20, v2;
	v34 =	vld.idx.msk [tilespmem:v34+s10+$0x0], $0xffff  }
0x8f: {  	v42 =	vadd.s32 s18, v4;
	v43 =	vadd.s32 s11, v0;
	v39 =	vand.u32 $0xFF80, v39;
	v33 =	vld.idx.msk [tilespmem:v33+s10+$0x0], $0xffff  }
0x90: {  	s0 =	sadd.s32 $0x4, s0;
	v44 =	vadd.s32 s18, v0;
	v42 =	vand.u32 $0xFF80, v42;
	v39 =	vor.u32 v13, v39;
	v32 =	vld.idx.msk [tilespmem:v32+s10+$0x0], $0xffff  }
0x91: {  	v45 =	vadd.s32 s18, v2;
	p2 =	slt.u32 s0, $0x7C;
	v44 =	vand.u32 $0xFF80, v44;
	v42 =	vor.u32 v5, v42;
	v31 =	vld.idx.msk [tilespmem:v31+s10+$0x0], $0xffff  }
0x92: {  	v46 =	vadd.s32 s18, v6;
	v45 =	vand.u32 $0xFF80, v45;
	v44 =	vor.u32 v1, v44;
	v47 =	vld.idx.msk [tilespmem:v36+s5+$0x0], $0xffff  }
0x93: {  	v36 =	vor.u32 v3, v45;
	v45 =	vand.u32 $0xFF80, v46;
	v46 =	vadd.s32 s18, v8;
	v40 =	vld.idx.msk [tilespmem:v40+s5+$0x0], $0xffff  }
0x94: {  	v48 =	vadd.s32 s18, v10;
	v45 =	vor.u32 v7, v45;
	v46 =	vand.u32 $0xFF80, v46;
	v41 =	vld.idx.msk [tilespmem:v41+s5+$0x0], $0xffff;
	[tilespmem:s29+$0x0] =	vst v34;
	s29 =	smov.u32 s16  }
0x95: {  	v34 =	vor.u32 v9, v46;
	v46 =	vand.u32 $0xFF80, v48;
	v48 =	vadd.s32 s18, v14;
	v39 =	vld.idx.msk [tilespmem:v39+s5+$0x0], $0xffff;
	[tilespmem:s25+$0xA000] =	vst v35;
	s25 =	smov.u32 s7  }
0x96: {  	v35 =	vld.idx.msk [tilespmem:v42+s5+$0x0], $0xffff;
	v42 =	vor.u32 v11, v46;
	v46 =	vand.u32 $0xFF80, v48;
	v48 =	vadd.s32 s18, v16;
	[tilespmem:s28+$0x0] =	vst v33;
	s28 =	smov.u32 s21  }
0x97: {  	v33 =	vld.idx.msk [tilespmem:v44+s5+$0x0], $0xffff;
	v44 =	vor.u32 v12, v46;
	v46 =	vand.u32 $0xFF80, v48;
	v48 =	vadd.s32 s11, v2;
	[tilespmem:s24+$0xA000] =	vst v37;
	s24 =	smov.u32 s8  }
0x98: {  	v49 =	vadd.s32 s20, v4;
	v36 =	vld.idx.msk [tilespmem:v36+s5+$0x0], $0xffff;
	v37 =	vor.u32 v17, v46;
	v46 =	vadd.s32 s18, v18;
	[tilespmem:s30+$0x0] =	vst v31;
	s30 =	smov.u32 s19  }
0x99: {  	v50 =	vadd.s32 s20, v8;
	v45 =	vld.idx.msk [tilespmem:v45+s5+$0x0], $0xffff;
	v31 =	vand.u32 $0xFF80, v46;
	v46 =	vadd.s32 s20, v6;
	[tilespmem:s26+$0xA000] =	vst v32;
	s26 =	smov.u32 s9  }
0x9a: {  	v51 =	vadd.s32 s11, v4;
	v52 =	vadd.s32 s11, v6;
	v32 =	vld.idx.msk [tilespmem:v34+s5+$0x0], $0xffff;
	v31 =	vor.u32 v19, v31  }
0x9b: {  	v54 =	vadd.s32 s6, v6;
	v55 =	vadd.s32 s6, v8;
	v53 =	vadd.s32 s11, v8;
	v42 =	vld.idx.msk [tilespmem:v42+s5+$0x0], $0xffff  }
0x9c: {  	v58 =	vadd.s32 s6, v10;
	v56 =	vadd.s32 s20, v10;
	v57 =	vadd.s32 s11, v10;
	v44 =	vld.idx.msk [tilespmem:v44+s5+$0x0], $0xffff  }
0x9d: {  	v60 =	vadd.s32 s20, v14;
	v61 =	vadd.s32 s11, v14;
	v59 =	vld.idx.msk [tilespmem:v37+s5+$0x0], $0xffff;
	v37 =	vadd.s32 s6, v14  }
0x9e: {  	v34 =	vadd.s32 s20, v15;
	v33 =	vshll.u32 v33, $0x2;
	v36 =	vshll.u32 v36, $0x1;
	v43 =	vld.idx.msk [tilespmem:v43+s5+$0x0], $0xffff  }
0x9f: {  	v36 =	vadd.s32 v33, v36;
	v33 =	vadd.s32 s20, v16;
	v62 =	vld.idx.msk [tilespmem:v31+s5+$0x0], $0xffff;
	v31 =	vadd.s32 s11, v15  }
0xa0: {  	v35 =	vadd.s32 v35, v36;
	v36 =	vshll.u32 v45, $0x3;
	v32 =	vshll.u32 v32, $0x2;
	v45 =	vld.idx.msk [tilespmem:v48+s5+$0x0], $0xffff  }
0xa1: {  	v35 =	vshll.u32 v35, $0x4;
	v32 =	vadd.s32 v32, v36;
	v36 =	vshll.u32 v42, $0x1;
	v38 =	vld.idx.msk [tilespmem:v38+s5+$0x0], $0xffff  }
0xa2: {  	v35 =	vadd.s32 v32, v35;
	v36 =	vadd.s32 v36, v44;
	v32 =	vadd.s32 s11, v16;
	v42 =	vld.idx.msk [tilespmem:v49+s5+$0x0], $0xffff  }
0xa3: {  	v35 =	vadd.s32 v35, v36;
	v36 =	vshll.u32 v39, $0x3;
	v39 =	vshll.u32 v59, $0x2;
	v44 =	vld.idx.msk [tilespmem:v46+s5+$0x0], $0xffff  }
0xa4: {  	v46 =	vshll.u32 v35, $0x4;
	v36 =	vadd.s32 v39, v36;
	v35 =	vadd.s32 s6, v15;
	v39 =	vld.idx.msk [tilespmem:v50+s5+$0x0], $0xffff  }
0xa5: {  	v46 =	vadd.s32 v36, v46;
	v48 =	vshll.u32 v62, $0x1;
	v36 =	vadd.s32 s6, v16;
	v49 =	vld.idx.msk [tilespmem:v51+s5+$0x0], $0xffff  }
0xa6: {  	v40 =	vshll.u32 v40, $0x2;
	v41 =	vshll.u32 v41, $0x1;
	v46 =	vadd.s32 v48, v46;
	v48 =	vld.idx.msk [tilespmem:v52+s5+$0x0], $0xffff  }
0xa7: {  	v43 =	vshll.u32 v43, $0x2;
	v45 =	vshll.u32 v45, $0x1;
	v50 =	vor.u32 $0x1, v46;
	v51 =	vld.idx.msk [tilespmem:v53+s5+$0x0], $0xffff  }
0xa8: {  	v40 =	vadd.s32 v40, v41;
	v41 =	vshll.u32 v47, $0x2;
	v38 =	vshll.u32 v38, $0x1;
	v30 =	vld.idx.msk [tilespmem:v30+s5+$0x0], $0xffff  }
0xa9: {  	v47 =	vadd.s32 s20, v18;
	v43 =	vadd.s32 v43, v45;
	v38 =	vadd.s32 v41, v38;
	v41 =	vld.idx.msk [tilespmem:v54+s5+$0x0], $0xffff  }
0xaa: {  	s31 =	sadd.s32 $0x4, s31;
	s2 =	sadd.s32 $0x2, s2;
	v52 =	vadd.s32 s6, v18;
	v40 =	vadd.s32 v42, v40;
	v42 =	vadd.s32 s11, v18;
	v45 =	vld.idx.msk [tilespmem:v55+s5+$0x0], $0xffff  }
0xab: {  	s1 =	sand.u32 $0x7, s31;
	s7 =	sand.u32 $0x3, s2;
	v44 =	vshll.u32 v44, $0x3;
	v39 =	vshll.u32 v39, $0x2;
	v43 =	vadd.s32 v49, v43;
	v46 =	vld.idx.msk [tilespmem:v46+s10+$0x0], $0xffff  }
0xac: {  	s12 =	sadd.s32 $0x40, s12;
	s1 =	sshll.u32 s1, $0x4;
	s7 =	sshll.u32 s7, $0x5;
	v40 =	vshll.u32 v40, $0x4;
	v43 =	vshll.u32 v43, $0x4;
	v48 =	vshll.u32 v48, $0x3;
	v49 =	vld.idx.msk [tilespmem:v50+s10+$0x0], $0xffff  }
0xad: {  	v27 =	vshll.u32 v27, $0x3;
	s13 =	sadd.s32 $0x80, s13;
	p0 =	por !p0, !p0;
	s8 =	simm.s32 $0x1;
	v39 =	vadd.s32 v39, v44;
	v44 =	vshll.u32 v51, $0x2;
	v50 =	vld.idx.msk [tilespmem:v56+s5+$0x0], $0xffff  }
0xae: {  	s8 =	simm.s32 @!p0 $0x0;
	s9 =	sadd.s32 $0xFFFFFFD0, s12;
	s11 =	sand.u32 $0xF00, s13;
	v39 =	vadd.s32 v39, v40;
	v44 =	vadd.s32 v44, v48;
	v30 =	vadd.s32 v30, v38;
	v40 =	vld.idx.msk [tilespmem:v57+s5+$0x0], $0xffff  }
0xaf: {  	s8 =	sshll.u32 s8, $0x6;
	s9 =	sand.u32 $0x40, s9;
	s11 =	sor.u32 $0xA000, s11;
	v38 =	vadd.s32 v44, v43;
	v30 =	vshll.u32 v30, $0x4;
	v41 =	vshll.u32 v41, $0x3;
	v43 =	vld.idx.msk [tilespmem:v58+s5+$0x0], $0xffff  }
0xb0: {  	v28 =	vadd.s32 v29, v28;
	v21 =	vshll.u32 v21, $0x2;
	s1 =	sadd.s32 s13, s1;
	s8 =	sadd.s32 s8, s13;
	s9 =	sor.u32 s9, s11;
	v45 =	vshll.u32 v45, $0x2;
	v44 =	vld.idx.msk [tilespmem:v60+s5+$0x0], $0xffff  }
0xb1: {  	v24 =	vshll.u32 v24, $0x1;
	v21 =	vadd.s32 v21, v27;
	s7 =	sadd.s32 s13, s7;
	s8 =	sor.u32 $0x80, s8;
	v41 =	vadd.s32 v45, v41;
	[tilespmem:s9+$0x0] =	vst v46;
	s9 =	sadd.s32 $0xFFFFFFE0, s12;
	v29 =	vld.idx.msk [tilespmem:v61+s5+$0x0], $0xffff  }
0xb2: {  	v25 =	vadd.s32 v28, v25;
	v23 =	vshll.u32 v23, $0x1;
	s16 =	sadd.s32 $0xFFFFFFF0, s12;
	s18 =	sadd.s32 $0x20, s7;
	v30 =	vadd.s32 v41, v30;
	[tilespmem:s8+$0xA000] =	vst v49;
	s8 =	sadd.s32 $0x10, s1;
	v45 =	vld.idx.msk [tilespmem:v37+s5+$0x0], $0xffff  }
0xb3: {  	v20 =	vadd.s32 v21, v20;
	v21 =	vshll.u32 v22, $0x1;
	s19 =	sand.u32 $0x60, s16;
	v27 =	vshll.u32 v50, $0x1;
	s9 =	sand.u32 $0x50, s9;
	s1 =	sadd.s32 $0x30, s1;
	v28 =	vld.idx.msk [tilespmem:v34+s5+$0x0], $0xffff  }
0xb4: {  	s7 =	sor.u32 $0x80, s8;
	v40 =	vshll.u32 v40, $0x1;
	s8 =	sor.u32 $0x80, s18;
	s18 =	sand.u32 $0x70, s12;
	v34 =	vadd.s32 v24, v26;
	v22 =	vld.idx.msk [tilespmem:v33+s5+$0x0], $0xffff;
	v33 =	vadd.s32 v23, v25  }
0xb5: {  	s21 =	sor.u32 s19, s11;
	s16 =	sor.u32 s9, s11;
	s9 =	sor.u32 $0x80, s1;
	v23 =	vshll.u32 v43, $0x1;
	v41 =	vor.u32 $0x1, v34;
	v26 =	vld.idx.msk [tilespmem:v31+s5+$0x0], $0xffff;
	v31 =	vadd.s32 v21, v20  }
0xb6: {  	s19 =	sor.u32 s18, s11;
	v20 =	vadd.s32 v27, v44;
	v37 =	vor.u32 $0x1, v33;
	v43 =	vld.idx.msk [tilespmem:v32+s5+$0x0], $0xffff;
	v32 =	vor.u32 $0x1, v31  }
0xb7: {  	v20 =	vadd.s32 v39, v20;
	v21 =	vadd.s32 v40, v29;
	v27 =	vld.idx.msk [tilespmem:v35+s5+$0x0], $0xffff  }
.Ltmp0:
0xb8: {  	v29 =	vshll.u32 v20, $0x4;
	v20 =	vadd.s32 v38, v21;
	v23 =	vadd.s32 v23, v45;
	v21 =	vld.idx.msk [tilespmem:v36+s5+$0x0], $0xffff;
	(pc) =	sbr.rel @p2 .LBB2_3-.Ltmp0, $4  }
0xb9: {  	v28 =	vshll.u32 v28, $0x3;
	v25 =	vshll.u32 v20, $0x4;
	v20 =	vadd.s32 v30, v23;
	v24 =	vld.idx.msk [tilespmem:v47+s5+$0x0], $0xffff  }
0xba: {  	v22 =	vshll.u32 v22, $0x2;
	v20 =	vshll.u32 v20, $0x4;
	v23 =	vld.idx.msk [tilespmem:v42+s5+$0x0], $0xffff  }
0xbb: {  	v30 =	vadd.s32 v22, v28;
	v28 =	vshll.u32 v26, $0x3;
	v22 =	vld.idx.msk [tilespmem:v52+s5+$0x0], $0xffff  }
0xbc: {  	s6 =	sadd.s32 $0x280, s6;
	v26 =	vadd.s32 v30, v29;
	v29 =	vshll.u32 v43, $0x2;
	v35 =	vld.idx.msk [tilespmem:v41+s10+$0x0], $0xffff  }
0xbd: {  	_ =	sdelay $0x3  }
0xbe: {  	v30 =	vld.idx.msk [tilespmem:v34+s10+$0x0], $0xffff;
	v27 =	vshll.u32 v27, $0x3;
	v24 =	vshll.u32 v24, $0x1  }
0xbf: {  	v28 =	vadd.s32 v29, v28;
	v21 =	vshll.u32 v21, $0x2;
	v24 =	vadd.s32 v24, v26  }
0xc0: {  	v25 =	vadd.s32 v28, v25;
	v26 =	vld.idx.msk [tilespmem:v33+s10+$0x0], $0xffff;
	v23 =	vshll.u32 v23, $0x1;
	v28 =	vor.u32 $0x1, v24  }
0xc1: {  	v29 =	vld.idx.msk [tilespmem:v37+s10+$0x0], $0xffff;
	v21 =	vadd.s32 v21, v27;
	v23 =	vadd.s32 v23, v25  }
0xc2: {  	v20 =	vadd.s32 v21, v20;
	v25 =	vld.idx.msk [tilespmem:v31+s10+$0x0], $0xffff;
	v21 =	vshll.u32 v22, $0x1;
	v22 =	vor.u32 $0x1, v23  }
0xc3: {  	v27 =	vld.idx.msk [tilespmem:v32+s10+$0x0], $0xffff;
	v20 =	vadd.s32 v21, v20;
	[tilespmem:s29+$0x0] =	vst v30  }
0xc4: {  	v21 =	vor.u32 $0x1, v20;
	[tilespmem:s25+$0xA000] =	vst v35;
	v24 =	vld.idx.msk [tilespmem:v24+s10+$0x0], $0xffff  }
0xc5: {  	[tilespmem:s28+$0x0] =	vst v26;
	v26 =	vld.idx.msk [tilespmem:v28+s10+$0x0], $0xffff  }
0xc6: {  	[tilespmem:s24+$0xA000] =	vst v29;
	v23 =	vld.idx.msk [tilespmem:v23+s10+$0x0], $0xffff  }
0xc7: {  	p0 =	seq.s32 s22, $0x3F;
	[tilespmem:s30+$0x0] =	vst v25;
	v22 =	vld.idx.msk [tilespmem:v22+s10+$0x0], $0xffff  }
0xc8: {  	s0 =	sadd.s32 @!p0 $0x2, s23;
	[tilespmem:s26+$0xA000] =	vst v27;
	v20 =	vld.idx.msk [tilespmem:v20+s10+$0x0], $0xffff  }
0xc9: {  	s1 =	sshrl.u32 @!p0 s0, $0x3;
	v21 =	vld.idx.msk [tilespmem:v21+s10+$0x0], $0xffff;
	[tilespmem:s16+$0x0] =	vst v24  }
0xca: {  	s0 =	sshll.u32 @!p0 s0, $0x7;
	s1 =	smul.u32 @!p0 $0x28000, s1;
	[tilespmem:s7+$0xA000] =	vst v26  }
0xcb: {  	s0 =	sand.u32 @!p0 $0x300, s0;
	[tilespmem:s21+$0x0] =	vst v23  }
0xcc: {  	s12 =	rddreg [dreg:$0x2];
	s0 =	sor.u32 @!p0 s0, s1;
	[tilespmem:s8+$0xA000] =	vst v22  }
0xcd: {  	s2 =	simm.s32 @!p0 $0x400;
	s6 =	simm.s32 @!p0 $0x0;
	s0 =	sshrl.u32 @!p0 s0, $0x3;
	[tilespmem:s19+$0x0] =	vst v20  }
0xce: {  	s1 =	simm.s32 @!p0 $0x80;
	s0 =	sadd.s32 @!p0 s4, s0;
	s24 =	sshll.u32 s23, $0x9;
	[tilespmem:s9+$0xA000] =	vst v21  }
0xcf: {  	[tilespmem:s6], [sflag:$0x1] =	stream.strided.gather @!p0 [hbm4b:s0+s1], $0x5000, s2, s1, $0x38;
	[tilespmem:$0xC800] =	vst v63  }
0xd0: {  	s13 =	simm.s32 $0xA000;
	s0 =	sadd.s32 s12, s24  }
0xd1: {  	[hbm4b:s0+s5] =	stream.linear.scatter [tilespmem:s13], [sflag:$0x3], $0x1000, $0x38;
	[tilespmem:$0xC800] =	vst v63  }
0xd2: {  	s16 =	simm.s32 $0x1E0;
	_ =	swait.ge [sflag:s17], $0x5000  }
0xd3: {  	s18 =	simm.s32 $0x0;
	s19 =	simm.s32 $0xA0;
	v20 =	vadd.s32 s16, v0;
	[sflag:s17] =	ssyncset.done $0x0  }
0xd4: {  	v21 =	vadd.s32 s18, v15;
	v22 =	vadd.s32 s19, v0;
	s6 =	simm.s32 @!p1 $0x4;
	[sflag:s17] =	ssyncadd.s32 $0xFFFFB000  }
0xd5: {  	v24 =	vadd.s32 s18, v4;
	v23 =	vadd.s32 s19, v2;
	v21 =	vand.u32 $0xFF80, v21;
	_ =	swait.ge @!p1 [sflag:s6], $0x1000  }
0xd6: {  	v25 =	vadd.s32 s18, v0;
	v24 =	vand.u32 $0xFF80, v24;
	v21 =	vor.u32 v13, v21;
	[sflag:s6] =	ssyncset.done @!p1 $0x0  }
0xd7: {  	v25 =	vand.u32 $0xFF80, v25;
	v26 =	vadd.s32 s18, v2;
	v24 =	vor.u32 v5, v24;
	[sflag:s6] =	ssyncadd.s32 @!p1 $0xFFFFF000  }
0xd8: {  	v27 =	vadd.s32 s18, v6;
	v25 =	vor.u32 v1, v25;
	v26 =	vand.u32 $0xFF80, v26;
	v20 =	vld.idx.msk [tilespmem:v20+s14+$0x0], $0xffff  }
0xd9: {  	v28 =	vadd.s32 s18, v8;
	v27 =	vand.u32 $0xFF80, v27;
	v26 =	vor.u32 v3, v26;
	v22 =	vld.idx.msk [tilespmem:v22+s14+$0x0], $0xffff  }
0xda: {  	v29 =	vadd.s32 s18, v10;
	v28 =	vand.u32 $0xFF80, v28;
	v27 =	vor.u32 v7, v27;
	v23 =	vld.idx.msk [tilespmem:v23+s14+$0x0], $0xffff  }
0xdb: {  	v30 =	vadd.s32 s18, v14;
	v29 =	vand.u32 $0xFF80, v29;
	v28 =	vor.u32 v9, v28;
	v21 =	vld.idx.msk [tilespmem:v21+s14+$0x0], $0xffff  }
0xdc: {  	v31 =	vadd.s32 s18, v16;
	v30 =	vand.u32 $0xFF80, v30;
	v29 =	vor.u32 v11, v29;
	v24 =	vld.idx.msk [tilespmem:v24+s14+$0x0], $0xffff  }
0xdd: {  	v31 =	vand.u32 $0xFF80, v31;
	v30 =	vor.u32 v12, v30;
	v25 =	vld.idx.msk [tilespmem:v25+s14+$0x0], $0xffff  }
0xde: {  	s20 =	simm.s32 $0x140;
	v58 =	vadd.s32 s18, v18;
	v31 =	vor.u32 v17, v31;
	v26 =	vld.idx.msk [tilespmem:v26+s14+$0x0], $0xffff  }
0xdf: {  	v59 =	vadd.s32 s20, v0;
	v36 =	vadd.s32 s20, v2;
	v40 =	vadd.s32 s20, v4;
	v27 =	vld.idx.msk [tilespmem:v27+s14+$0x0], $0xffff  }
0xe0: {  	v41 =	vadd.s32 s20, v6;
	v42 =	vadd.s32 s20, v8;
	v32 =	vand.u32 $0xFF80, v58;
	v28 =	vld.idx.msk [tilespmem:v28+s14+$0x0], $0xffff  }
0xe1: {  	v46 =	vadd.s32 s20, v10;
	v49 =	vadd.s32 s20, v14;
	v32 =	vor.u32 v19, v32;
	v29 =	vld.idx.msk [tilespmem:v29+s14+$0x0], $0xffff  }
0xe2: {  	v63 =	vadd.s32 s20, v16;
	v60 =	vadd.s32 s16, v2;
	v61 =	vadd.s32 s16, v4;
	v30 =	vld.idx.msk [tilespmem:v30+s14+$0x0], $0xffff  }
0xe3: {  	v43 =	vadd.s32 s16, v6;
	v44 =	vadd.s32 s16, v8;
	v47 =	vadd.s32 s16, v10;
	v31 =	vld.idx.msk [tilespmem:v31+s14+$0x0], $0xffff  }
0xe4: {  	v50 =	vadd.s32 s16, v14;
	v53 =	vadd.s32 s16, v15;
	v54 =	vadd.s32 s16, v16;
	v33 =	vld.idx.msk [tilespmem:v59+s14+$0x0], $0xffff  }
0xe5: {  	v62 =	vadd.s32 s19, v4;
	v38 =	vadd.s32 s19, v6;
	v39 =	vadd.s32 s19, v8;
	v36 =	vld.idx.msk [tilespmem:v36+s14+$0x0], $0xffff  }
0xe6: {  	v45 =	vadd.s32 s19, v10;
	v48 =	vadd.s32 s19, v14;
	v51 =	vadd.s32 s19, v15;
	v32 =	vld.idx.msk [tilespmem:v32+s14+$0x0], $0xffff  }
0xe7: {  	v34 =	vadd.s32 s19, v16;
	v57 =	vadd.s32 s19, v18;
	v52 =	vld.idx.msk [tilespmem:v42+s14+$0x0], $0xffff;
	v59 =	vadd.s32 s20, v18  }
0xe8: {  	v56 =	vld.idx.msk [tilespmem:v43+s14+$0x0], $0xffff;
	v25 =	vshll.u32 v25, $0x2;
	v26 =	vshll.u32 v26, $0x1;
	v21 =	vshll.u32 v21, $0x3  }
0xe9: {  	v22 =	vshll.u32 v22, $0x2;
	v23 =	vshll.u32 v23, $0x1;
	v25 =	vadd.s32 v25, v26;
	v26 =	vld.idx.msk [tilespmem:v60+s14+$0x0], $0xffff  }
0xea: {  	v33 =	vshll.u32 v33, $0x2;
	v36 =	vshll.u32 v36, $0x1;
	v22 =	vadd.s32 v22, v23;
	v23 =	vld.idx.msk [tilespmem:v44+s14+$0x0], $0xffff  }
0xeb: {  	s21 =	simm.s32 $0x280;
	v24 =	vadd.s32 v24, v25;
	v25 =	vshll.u32 v27, $0x3;
	v27 =	vshll.u32 v28, $0x2;
	v28 =	vld.idx.msk [tilespmem:v62+s14+$0x0], $0xffff  }
0xec: {  	v20 =	vshll.u32 v20, $0x2;
	v33 =	vadd.s32 v33, v36;
	v62 =	vld.idx.msk [tilespmem:v49+s14+$0x0], $0xffff;
	v49 =	vadd.s32 s21, v0  }
0xed: {  	v58 =	vld.idx.msk [tilespmem:v45+s14+$0x0], $0xffff;
	v24 =	vshll.u32 v24, $0x4;
	v25 =	vadd.s32 v27, v25;
	v27 =	vshll.u32 v29, $0x1  }
0xee: {  	v29 =	vld.idx.msk [tilespmem:v38+s14+$0x0], $0xffff;
	v36 =	vand.u32 $0xFF80, v49;
	v24 =	vadd.s32 v25, v24;
	v25 =	vadd.s32 v27, v30  }
0xef: {  	v60 =	vadd.s32 s16, v18;
	v27 =	vld.idx.msk [tilespmem:v39+s14+$0x0], $0xffff;
	v36 =	vor.u32 v1, v36;
	v24 =	vadd.s32 v24, v25  }
0xf0: {  	v30 =	vld.idx.msk [tilespmem:v40+s14+$0x0], $0xffff;
	v25 =	vshll.u32 v31, $0x2;
	v31 =	vadd.s32 s20, v15;
	v24 =	vshll.u32 v24, $0x4  }
0xf1: {  	v21 =	vadd.s32 v25, v21;
	v25 =	vld.idx.msk [tilespmem:v41+s14+$0x0], $0xffff;
	v26 =	vshll.u32 v26, $0x1;
	v23 =	vshll.u32 v23, $0x2  }
0xf2: {  	s25 =	simm.s32 $0x320;
	v21 =	vadd.s32 v21, v24;
	v24 =	vshll.u32 v32, $0x1;
	v20 =	vadd.s32 v20, v26;
	v26 =	vld.idx.msk [tilespmem:v46+s14+$0x0], $0xffff  }
0xf3: {  	v22 =	vadd.s32 v28, v22;
	v46 =	vadd.s32 s25, v0;
	v21 =	vadd.s32 v24, v21;
	v24 =	vld.idx.msk [tilespmem:v61+s14+$0x0], $0xffff  }
0xf4: {  	v28 =	vshll.u32 v29, $0x3;
	v29 =	vld.idx.msk [tilespmem:v47+s14+$0x0], $0xffff;
	v22 =	vshll.u32 v22, $0x4;
	v47 =	vadd.s32 s25, v2  }
0xf5: {  	v61 =	vld.idx.msk [tilespmem:v48+s14+$0x0], $0xffff;
	v48 =	vadd.s32 s21, v4;
	v55 =	vor.u32 $0x1, v21;
	v27 =	vshll.u32 v27, $0x2  }
0xf6: {  	v34 =	vld.idx.msk [tilespmem:v34+s14+$0x0], $0xffff;
	v30 =	vadd.s32 v30, v33;
	v35 =	vand.u32 $0xFF80, v48;
	v27 =	vadd.s32 v27, v28  }
0xf7: {  	v28 =	vshll.u32 v52, $0x2;
	v30 =	vshll.u32 v30, $0x4;
	v31 =	vld.idx.msk [tilespmem:v31+s14+$0x0], $0xffff;
	v25 =	vshll.u32 v25, $0x3  }
0xf8: {  	s0 =	simm.s32 $0x460;
	v35 =	vor.u32 v5, v35;
	v52 =	vadd.s32 s21, v6;
	v25 =	vadd.s32 v28, v25;
	v28 =	vld.idx.msk [tilespmem:v51+s14+$0x0], $0xffff  }
0xf9: {  	v22 =	vadd.s32 v27, v22;
	v51 =	vadd.s32 s21, v2;
	v33 =	vld.idx.msk [tilespmem:v46+s14+$0x0], $0xffff;
	v46 =	vadd.s32 s0, v4  }
0xfa: {  	v27 =	vld.idx.msk [tilespmem:v50+s14+$0x0], $0xffff;
	v20 =	vadd.s32 v24, v20;
	v24 =	vshll.u32 v56, $0x3;
	v25 =	vadd.s32 v25, v30  }
0xfb: {  	v30 =	vld.idx.msk [tilespmem:v53+s14+$0x0], $0xffff;
	v38 =	vand.u32 $0xFF80, v51;
	v53 =	vadd.s32 s21, v8;
	v20 =	vshll.u32 v20, $0x4  }
0xfc: {  	v63 =	vld.idx.msk [tilespmem:v63+s14+$0x0], $0xffff;
	v23 =	vadd.s32 v23, v24;
	v24 =	vshll.u32 v58, $0x1;
	v38 =	vor.u32 v3, v38  }
0xfd: {  	v32 =	vld.idx.msk [tilespmem:v36+s14+$0x0], $0xffff;
	v23 =	vadd.s32 v23, v20;
	v20 =	vadd.s32 v24, v61;
	v24 =	vshll.u32 v26, $0x1  }
0xfe: {  	v26 =	vshll.u32 v29, $0x1;
	v20 =	vadd.s32 v22, v20;
	v22 =	vld.idx.msk [tilespmem:v21+s10+$0x0], $0xffff;
	v21 =	vadd.s32 v24, v62  }
0xff: {  	v35 =	vld.idx.msk [tilespmem:v35+s14+$0x0], $0xffff;
	v24 =	vadd.s32 v26, v27;
	v26 =	vshll.u32 v34, $0x2;
	v21 =	vadd.s32 v25, v21  }
0x100: {  	v27 =	vld.idx.msk [tilespmem:v54+s14+$0x0], $0xffff;
	v25 =	vshll.u32 v28, $0x3;
	v28 =	vshll.u32 v31, $0x3;
	v31 =	vadd.s32 s0, v0  }
0x101: {  	v34 =	vld.idx.msk [tilespmem:v47+s14+$0x0], $0xffff;
	v29 =	vshll.u32 v20, $0x4;
	v23 =	vadd.s32 v23, v24;
	v24 =	vshll.u32 v21, $0x4  }
0x102: {  	v20 =	vld.idx.msk [tilespmem:v55+s10+$0x0], $0xffff;
	v21 =	vshll.u32 v23, $0x4;
	v23 =	vadd.s32 v26, v25;
	v25 =	vadd.s32 s21, v15  }
0x103: {  	v32 =	vshll.u32 v32, $0x2;
	v62 =	vadd.s32 s21, v18;
	v26 =	vld.idx.msk [tilespmem:v59+s14+$0x0], $0xffff;
	v25 =	vand.u32 $0xFF80, v25  }
0x104: {  	v55 =	vadd.s32 s21, v10;
	v45 =	vand.u32 $0xFF80, v62;
	v38 =	vld.idx.msk [tilespmem:v38+s14+$0x0], $0xffff;
	v50 =	vor.u32 v13, v25  }
0x105: {  	v59 =	vadd.s32 s21, v16;
	v45 =	vor.u32 v19, v45;
	v40 =	vld.idx.msk [tilespmem:v31+s14+$0x0], $0xffff;
	v31 =	vand.u32 $0xFF80, v52  }
0x106: {  	v46 =	vld.idx.msk [tilespmem:v46+s14+$0x0], $0xffff;
	v23 =	vadd.s32 v23, v29;
	v54 =	vor.u32 v7, v31;
	v31 =	vand.u32 $0xFF80, v53  }
0x107: {  	v29 =	vld.idx.msk [tilespmem:v57+s14+$0x0], $0xffff;
	v57 =	vadd.s32 s21, v14;
	v56 =	vor.u32 v9, v31;
	v31 =	vand.u32 $0xFF80, v55  }
0x108: {  	v61 =	vand.u32 $0xFF80, v59;
	v25 =	vld.idx.msk [tilespmem:v60+s14+$0x0], $0xffff;
	v39 =	vand.u32 $0xFF80, v57;
	v58 =	vor.u32 v11, v31  }
0x109: {  	v60 =	vor.u32 v12, v39;
	v39 =	vor.u32 v17, v61;
	v38 =	vshll.u32 v38, $0x1;
	v37 =	vld.idx.msk [tilespmem:v50+s14+$0x0], $0xffff  }
0x10a: {  	s26 =	simm.s32 $0x3C0;
	v44 =	vadd.s32 s0, v2;
	v49 =	vadd.s32 s25, v4;
	v32 =	vadd.s32 v32, v38;
	v38 =	vld.idx.msk [tilespmem:v45+s14+$0x0], $0xffff  }
0x10b: {  	v48 =	vadd.s32 s26, v2;
	v31 =	vshll.u32 v63, $0x2;
	v63 =	vadd.s32 s26, v0;
	v41 =	vld.idx.msk [tilespmem:v54+s14+$0x0], $0xffff  }
0x10c: {  	v51 =	vadd.s32 s25, v8;
	v33 =	vshll.u32 v33, $0x2;
	v30 =	vshll.u32 v30, $0x3;
	v42 =	vld.idx.msk [tilespmem:v56+s14+$0x0], $0xffff  }
0x10d: {  	v59 =	vadd.s32 s0, v10;
	v57 =	vadd.s32 s25, v10;
	v61 =	vadd.s32 s26, v14;
	v43 =	vld.idx.msk [tilespmem:v58+s14+$0x0], $0xffff  }
0x10e: {  	v34 =	vshll.u32 v34, $0x1;
	v27 =	vshll.u32 v27, $0x2;
	v50 =	vadd.s32 s25, v6;
	v39 =	vld.idx.msk [tilespmem:v39+s14+$0x0], $0xffff  }
0x10f: {  	v52 =	vadd.s32 s26, v4;
	v33 =	vadd.s32 v33, v34;
	v27 =	vadd.s32 v27, v30;
	v36 =	vld.idx.msk [tilespmem:v60+s14+$0x0], $0xffff  }
0x110: {  	v53 =	vadd.s32 s26, v6;
	v26 =	vshll.u32 v26, $0x1;
	v21 =	vadd.s32 v27, v21;
	v47 =	vld.idx.msk [tilespmem:v63+s14+$0x0], $0xffff  }
0x111: {  	v55 =	vadd.s32 s0, v6;
	v32 =	vadd.s32 v35, v32;
	v62 =	vshll.u32 v42, $0x2;
	v42 =	vld.idx.msk [tilespmem:v48+s14+$0x0], $0xffff  }
0x112: {  	v54 =	vadd.s32 s26, v8;
	v45 =	vshll.u32 v41, $0x3;
	v63 =	vshll.u32 v43, $0x1;
	v43 =	vld.idx.msk [tilespmem:v44+s14+$0x0], $0xffff  }
0x113: {  	v41 =	vadd.s32 s25, v15;
	v35 =	vadd.s32 v62, v45;
	v62 =	vshll.u32 v39, $0x2;
	v39 =	vld.idx.msk [tilespmem:v50+s14+$0x0], $0xffff  }
0x114: {  	v29 =	vshll.u32 v29, $0x1;
	v25 =	vshll.u32 v25, $0x1;
	v48 =	vadd.s32 v63, v36;
	v36 =	vld.idx.msk [tilespmem:v49+s14+$0x0], $0xffff  }
0x115: {  	s3 =	simm.s32 $0x0;
	v60 =	vadd.s32 s25, v14;
	v32 =	vshll.u32 v32, $0x4;
	v49 =	vshll.u32 v37, $0x3;
	v37 =	vld.idx.msk [tilespmem:v51+s14+$0x0], $0xffff  }
0x116: {  	s11 =	simm.s32 $0x1;
	s7 =	sand.u32 $0xF00, s3;
	s1 =	simm.s32 $0x30;
	v28 =	vadd.s32 v31, v28;
	v32 =	vadd.s32 v35, v32;
	v63 =	vshll.u32 v38, $0x1;
	v38 =	vld.idx.msk [tilespmem:v52+s14+$0x0], $0xffff  }
0x117: {  	s12 =	simm.s32 $0x0;
	s2 =	simm.s32 $0x4;
	p1 =	por $0x0, $0x0;
	v56 =	vadd.s32 s0, v8;
	v32 =	vadd.s32 v32, v48;
	v35 =	vadd.s32 v62, v49;
	v62 =	vld.idx.msk [tilespmem:v54+s14+$0x0], $0xffff  }
0x118: {  	s12 =	sand.u32 $0x40, s12;
	s13 =	sand.u32 $0x7, s3;
	s11 =	simm.s32 @!p1 $0x0;
	v24 =	vadd.s32 v28, v24;
	v44 =	vadd.s32 s0, v14;
	v32 =	vshll.u32 v32, $0x4;
	v28 =	vld.idx.msk [tilespmem:v41+s14+$0x0], $0xffff  }
0x119: {  	s1 =	sand.u32 $0x70, s1;
	s8 =	sshll.u32 s13, $0x4;
	s11 =	sshll.u32 s11, $0x6;
	v58 =	vadd.s32 s26, v10;
	v45 =	vadd.s32 s25, v16;
	v32 =	vadd.s32 v35, v32;
	v35 =	vld.idx.msk [tilespmem:v53+s14+$0x0], $0xffff  }
0x11a: {  	p1 =	por !p1, !p1;
	s19 =	sadd.s32 $0x0, s11;
	s11 =	simm.s32 $0x1;
	v50 =	vadd.s32 s0, v15;
	v47 =	vshll.u32 v47, $0x2;
	v51 =	vadd.s32 s0, v16;
	v53 =	vld.idx.msk [tilespmem:v60+s14+$0x0], $0xffff  }
0x11b: {  	s13 =	sor.u32 $0xB000, s7;
	s18 =	sadd.s32 $0x0, s8;
	s11 =	simm.s32 @!p1 $0x0;
	v42 =	vshll.u32 v42, $0x1;
	v32 =	vadd.s32 v63, v32;
	v63 =	vshll.u32 v40, $0x2;
	v40 =	vld.idx.msk [tilespmem:v55+s14+$0x0], $0xffff  }
0x11c: {  	s8 =	sor.u32 s12, s13;
	s31 =	sor.u32 s1, s13;
	s11 =	sshll.u32 s11, $0x6;
	v48 =	vadd.s32 s26, v15;
	v49 =	vadd.s32 s26, v16;
	v42 =	vadd.s32 v47, v42;
	v47 =	vld.idx.msk [tilespmem:v56+s14+$0x0], $0xffff  }
0x11d: {  	s7 =	sor.u32 $0x80, s19;
	s11 =	sadd.s32 $0x80, s11;
	s16 =	sand.u32 $0x3, s3;
	v54 =	vadd.s32 s25, v18;
	v43 =	vshll.u32 v43, $0x1;
	v55 =	vadd.s32 s0, v18;
	v44 =	vld.idx.msk [tilespmem:v44+s14+$0x0], $0xffff  }
0x11e: {  	s9 =	sshll.u32 s16, $0x5;
	s16 =	sadd.s32 $0x30, s18;
	s21 =	simm.s32 $0x10;
	v56 =	vshll.u32 v39, $0x3;
	v60 =	vld.idx.msk [tilespmem:v45+s14+$0x0], $0xffff;
	v52 =	vor.u32 $0x1, v32;
	v34 =	vadd.s32 v63, v43  }
0x11f: {  	s28 =	sor.u32 $0x80, s16;
	s20 =	sadd.s32 $0x0, s9;
	s6 =	sand.u32 $0x50, s21;
	v27 =	vld.idx.msk [tilespmem:v50+s14+$0x0], $0xffff;
	v33 =	vadd.s32 v36, v33;
	v36 =	vadd.s32 s26, v18;
	v38 =	vadd.s32 v38, v42  }
0x120: {  	s3 =	sadd.s32 $0x20, s20;
	s21 =	simm.s32 $0x40;
	s30 =	sor.u32 s6, s13;
	v37 =	vshll.u32 v37, $0x2;
	v42 =	vld.idx.msk [tilespmem:v57+s14+$0x0], $0xffff;
	v33 =	vshll.u32 v33, $0x4;
	v34 =	vadd.s32 v46, v34  }
0x121: {  	s6 =	simm.s32 $0x80;
	s16 =	sand.u32 $0x40, s21;
	s21 =	simm.s32 $0x60;
	v38 =	vshll.u32 v38, $0x4;
	v57 =	vshll.u32 v62, $0x2;
	v62 =	vld.idx.msk [tilespmem:v59+s14+$0x0], $0xffff;
	v63 =	vshll.u32 v34, $0x4  }
0x122: {  	s21 =	sand.u32 $0x60, s21;
	s25 =	sadd.s32 $0x10, s18;
	s18 =	sand.u32 $0x7, s2;
	v34 =	vadd.s32 v29, v23;
	v28 =	vshll.u32 v28, $0x3;
	v35 =	vshll.u32 v35, $0x3;
	v43 =	vld.idx.msk [tilespmem:v32+s10+$0x0], $0xffff  }
0x123: {  	s1 =	sshll.u32 s18, $0x4;
	s18 =	sand.u32 $0xF00, s6;
	s0 =	simm.s32 $0x2;
	v32 =	vadd.s32 v37, v56;
	v35 =	vadd.s32 v57, v35;
	v56 =	vshll.u32 v40, $0x3;
	v39 =	vld.idx.msk [tilespmem:v52+s10+$0x0], $0xffff  }
0x124: {  	s1 =	sadd.s32 $0x80, s1;
	s26 =	simm.s32 $0x20;
	s19 =	sand.u32 $0x3, s0;
	v57 =	vshll.u32 v47, $0x2;
	v52 =	vld.idx.msk [tilespmem:v58+s14+$0x0], $0xffff;
	v46 =	vadd.s32 v32, v33;
	v35 =	vadd.s32 v35, v38  }
0x125: {  	s12 =	sand.u32 $0x60, s26;
	s26 =	sor.u32 $0x80, s25;
	s25 =	sor.u32 $0x80, s3;
	v58 =	vld.idx.msk [tilespmem:v61+s14+$0x0], $0xffff;
	v31 =	vadd.s32 v57, v56;
	v59 =	vshll.u32 v42, $0x1;
	v33 =	vadd.s32 v26, v24  }
0x126: {  	s20 =	sshll.u32 s19, $0x5;
	s19 =	sor.u32 $0xB000, s18;
	s3 =	simm.s32 $0x50;
	v29 =	vld.idx.msk [tilespmem:v48+s14+$0x0], $0xffff;
	v30 =	vadd.s32 v31, v63;
	v23 =	vshll.u32 v62, $0x1;
	v62 =	vor.u32 $0x1, v34  }
0x127: {  	s18 =	sadd.s32 $0x10, s1;
	s1 =	sadd.s32 $0x30, s1;
	s29 =	sor.u32 s12, s13;
	v63 =	vld.idx.msk [tilespmem:v49+s14+$0x0], $0xffff;
	v31 =	vadd.s32 v25, v21;
	v21 =	vadd.s32 v59, v53;
	v37 =	vor.u32 $0x1, v33  }
0x128: {  	[tilespmem:s8+$0x0] =	vst v22;
	s12 =	simm.s32 $0x4;
	s13 =	simm.s32 $0x70;
	s16 =	sor.u32 s16, s19;
	v32 =	vor.u32 $0x1, v31;
	v24 =	vadd.s32 v46, v21;
	v21 =	vld.idx.msk [tilespmem:v51+s14+$0x0], $0xffff;
	v23 =	vadd.s32 v23, v44  }
0x129: {  	[tilespmem:s7+$0xB000] =	vst v20;
	s9 =	sadd.s32 $0x80, s20;
	s20 =	sor.u32 $0x80, s11;
	s3 =	sand.u32 $0x50, s3;
	v26 =	vshll.u32 v24, $0x4;
	v24 =	vld.idx.msk [tilespmem:v54+s14+$0x0], $0xffff;
	v20 =	vadd.s32 v30, v23;
	v61 =	vshll.u32 v52, $0x1  }
0x12a: {  	s11 =	sor.u32 $0x80, s18;
	s7 =	sor.u32 $0x80, s1;
	s9 =	sadd.s32 $0x20, s9;
	v30 =	vshll.u32 v60, $0x2;
	v23 =	vld.idx.msk [tilespmem:v36+s14+$0x0], $0xffff;
	v20 =	vshll.u32 v20, $0x4;
	v25 =	vadd.s32 v61, v58  }
0x12b: {  	s8 =	sand.u32 $0x70, s13;
	s18 =	sor.u32 s3, s19;
	s9 =	sor.u32 $0x80, s9;
	[tilespmem:s16+$0x0] =	vst v43;
	v30 =	vadd.s32 v30, v28;
	v28 =	vshll.u32 v29, $0x3;
	v22 =	vadd.s32 v35, v25;
	v35 =	vld.idx.msk [tilespmem:v62+s10+$0x0], $0xffff  }
0x12c: {  	s16 =	sor.u32 s21, s19;
	[tilespmem:s20+$0xB000] =	vst v39;
	s20 =	sor.u32 s8, s19;
	v26 =	vadd.s32 v30, v26;
	s8 =	simm.s32 $0x6E0;
	v29 =	vshll.u32 v63, $0x2;
	v25 =	vshll.u32 v22, $0x4;
	v22 =	vld.idx.msk [tilespmem:v55+s14+$0x0], $0xffff  }
.LBB2_5:
0x12d: {  	s1 =	sadd.s32 $0xFFFFFE20, s8;
	s21 =	sadd.s32 $0xFFFFFEC0, s8;
	s19 =	sadd.s32 $0xFFFFFF60, s8;
	v36 =	vadd.s32 s8, v0;
	v38 =	vadd.s32 s8, v2;
	v30 =	vadd.s32 s8, v4;
	v37 =	vld.idx.msk [tilespmem:v37+s10+$0x0], $0xffff  }
0x12e: {  	v39 =	vadd.s32 s1, v15;
	v40 =	vadd.s32 s21, v0;
	v41 =	vadd.s32 s21, v2;
	v34 =	vld.idx.msk [tilespmem:v34+s10+$0x0], $0xffff  }
0x12f: {  	v42 =	vadd.s32 s1, v4;
	v43 =	vadd.s32 s19, v0;
	v39 =	vand.u32 $0xFF80, v39;
	v33 =	vld.idx.msk [tilespmem:v33+s10+$0x0], $0xffff  }
0x130: {  	s12 =	sadd.s32 $0x4, s12;
	v44 =	vadd.s32 s1, v0;
	v42 =	vand.u32 $0xFF80, v42;
	v39 =	vor.u32 v13, v39;
	v32 =	vld.idx.msk [tilespmem:v32+s10+$0x0], $0xffff  }
0x131: {  	v45 =	vadd.s32 s1, v2;
	p2 =	slt.u32 s12, $0x7C;
	v44 =	vand.u32 $0xFF80, v44;
	v42 =	vor.u32 v5, v42;
	v31 =	vld.idx.msk [tilespmem:v31+s10+$0x0], $0xffff  }
0x132: {  	v46 =	vadd.s32 s1, v6;
	v45 =	vand.u32 $0xFF80, v45;
	v44 =	vor.u32 v1, v44;
	v47 =	vld.idx.msk [tilespmem:v36+s14+$0x0], $0xffff  }
0x133: {  	v36 =	vor.u32 v3, v45;
	v45 =	vand.u32 $0xFF80, v46;
	v46 =	vadd.s32 s1, v8;
	v40 =	vld.idx.msk [tilespmem:v40+s14+$0x0], $0xffff  }
0x134: {  	v48 =	vadd.s32 s1, v10;
	v45 =	vor.u32 v7, v45;
	v46 =	vand.u32 $0xFF80, v46;
	v41 =	vld.idx.msk [tilespmem:v41+s14+$0x0], $0xffff;
	[tilespmem:s30+$0x0] =	vst v34;
	s30 =	smov.u32 s18  }
0x135: {  	v34 =	vor.u32 v9, v46;
	v46 =	vand.u32 $0xFF80, v48;
	v48 =	vadd.s32 s1, v14;
	v39 =	vld.idx.msk [tilespmem:v39+s14+$0x0], $0xffff;
	[tilespmem:s26+$0xB000] =	vst v35;
	s26 =	smov.u32 s11  }
0x136: {  	v35 =	vld.idx.msk [tilespmem:v42+s14+$0x0], $0xffff;
	v42 =	vor.u32 v11, v46;
	v46 =	vand.u32 $0xFF80, v48;
	v48 =	vadd.s32 s1, v16;
	[tilespmem:s29+$0x0] =	vst v33;
	s29 =	smov.u32 s16  }
0x137: {  	v33 =	vld.idx.msk [tilespmem:v44+s14+$0x0], $0xffff;
	v44 =	vor.u32 v12, v46;
	v46 =	vand.u32 $0xFF80, v48;
	v48 =	vadd.s32 s19, v2;
	[tilespmem:s25+$0xB000] =	vst v37;
	s25 =	smov.u32 s9  }
0x138: {  	v49 =	vadd.s32 s21, v4;
	v36 =	vld.idx.msk [tilespmem:v36+s14+$0x0], $0xffff;
	v37 =	vor.u32 v17, v46;
	v46 =	vadd.s32 s1, v18;
	[tilespmem:s31+$0x0] =	vst v31;
	s31 =	smov.u32 s20  }
0x139: {  	v50 =	vadd.s32 s21, v8;
	v45 =	vld.idx.msk [tilespmem:v45+s14+$0x0], $0xffff;
	v31 =	vand.u32 $0xFF80, v46;
	v46 =	vadd.s32 s21, v6;
	[tilespmem:s28+$0xB000] =	vst v32;
	s28 =	smov.u32 s7  }
0x13a: {  	v51 =	vadd.s32 s19, v4;
	v52 =	vadd.s32 s19, v6;
	v32 =	vld.idx.msk [tilespmem:v34+s14+$0x0], $0xffff;
	v31 =	vor.u32 v19, v31  }
0x13b: {  	v54 =	vadd.s32 s8, v6;
	v55 =	vadd.s32 s8, v8;
	v53 =	vadd.s32 s19, v8;
	v42 =	vld.idx.msk [tilespmem:v42+s14+$0x0], $0xffff  }
0x13c: {  	v58 =	vadd.s32 s8, v10;
	v56 =	vadd.s32 s21, v10;
	v57 =	vadd.s32 s19, v10;
	v44 =	vld.idx.msk [tilespmem:v44+s14+$0x0], $0xffff  }
0x13d: {  	v60 =	vadd.s32 s21, v14;
	v61 =	vadd.s32 s19, v14;
	v59 =	vld.idx.msk [tilespmem:v37+s14+$0x0], $0xffff;
	v37 =	vadd.s32 s8, v14  }
0x13e: {  	v34 =	vadd.s32 s21, v15;
	v33 =	vshll.u32 v33, $0x2;
	v36 =	vshll.u32 v36, $0x1;
	v43 =	vld.idx.msk [tilespmem:v43+s14+$0x0], $0xffff  }
0x13f: {  	v36 =	vadd.s32 v33, v36;
	v33 =	vadd.s32 s21, v16;
	v62 =	vld.idx.msk [tilespmem:v31+s14+$0x0], $0xffff;
	v31 =	vadd.s32 s19, v15  }
0x140: {  	v35 =	vadd.s32 v35, v36;
	v36 =	vshll.u32 v45, $0x3;
	v32 =	vshll.u32 v32, $0x2;
	v45 =	vld.idx.msk [tilespmem:v48+s14+$0x0], $0xffff  }
0x141: {  	v35 =	vshll.u32 v35, $0x4;
	v32 =	vadd.s32 v32, v36;
	v36 =	vshll.u32 v42, $0x1;
	v38 =	vld.idx.msk [tilespmem:v38+s14+$0x0], $0xffff  }
0x142: {  	v35 =	vadd.s32 v32, v35;
	v36 =	vadd.s32 v36, v44;
	v32 =	vadd.s32 s19, v16;
	v42 =	vld.idx.msk [tilespmem:v49+s14+$0x0], $0xffff  }
0x143: {  	v35 =	vadd.s32 v35, v36;
	v36 =	vshll.u32 v39, $0x3;
	v39 =	vshll.u32 v59, $0x2;
	v44 =	vld.idx.msk [tilespmem:v46+s14+$0x0], $0xffff  }
0x144: {  	v46 =	vshll.u32 v35, $0x4;
	v36 =	vadd.s32 v39, v36;
	v35 =	vadd.s32 s8, v15;
	v39 =	vld.idx.msk [tilespmem:v50+s14+$0x0], $0xffff  }
0x145: {  	v46 =	vadd.s32 v36, v46;
	v48 =	vshll.u32 v62, $0x1;
	v36 =	vadd.s32 s8, v16;
	v49 =	vld.idx.msk [tilespmem:v51+s14+$0x0], $0xffff  }
0x146: {  	v40 =	vshll.u32 v40, $0x2;
	v41 =	vshll.u32 v41, $0x1;
	v46 =	vadd.s32 v48, v46;
	v48 =	vld.idx.msk [tilespmem:v52+s14+$0x0], $0xffff  }
0x147: {  	v43 =	vshll.u32 v43, $0x2;
	v45 =	vshll.u32 v45, $0x1;
	v50 =	vor.u32 $0x1, v46;
	v51 =	vld.idx.msk [tilespmem:v53+s14+$0x0], $0xffff  }
0x148: {  	v40 =	vadd.s32 v40, v41;
	v41 =	vshll.u32 v47, $0x2;
	v38 =	vshll.u32 v38, $0x1;
	v30 =	vld.idx.msk [tilespmem:v30+s14+$0x0], $0xffff  }
0x149: {  	v47 =	vadd.s32 s21, v18;
	v43 =	vadd.s32 v43, v45;
	v38 =	vadd.s32 v41, v38;
	v41 =	vld.idx.msk [tilespmem:v54+s14+$0x0], $0xffff  }
0x14a: {  	s2 =	sadd.s32 $0x4, s2;
	s0 =	sadd.s32 $0x2, s0;
	v52 =	vadd.s32 s8, v18;
	v40 =	vadd.s32 v42, v40;
	v42 =	vadd.s32 s19, v18;
	v45 =	vld.idx.msk [tilespmem:v55+s14+$0x0], $0xffff  }
0x14b: {  	s3 =	sand.u32 $0x3, s0;
	s1 =	sand.u32 $0x7, s2;
	v44 =	vshll.u32 v44, $0x3;
	v39 =	vshll.u32 v39, $0x2;
	v43 =	vadd.s32 v49, v43;
	v46 =	vld.idx.msk [tilespmem:v46+s10+$0x0], $0xffff  }
0x14c: {  	s13 =	sadd.s32 $0x40, s13;
	s3 =	sshll.u32 s3, $0x5;
	s1 =	sshll.u32 s1, $0x4;
	v40 =	vshll.u32 v40, $0x4;
	v43 =	vshll.u32 v43, $0x4;
	v48 =	vshll.u32 v48, $0x3;
	v49 =	vld.idx.msk [tilespmem:v50+s10+$0x0], $0xffff  }
0x14d: {  	v27 =	vshll.u32 v27, $0x3;
	s6 =	sadd.s32 $0x80, s6;
	p1 =	por !p1, !p1;
	s7 =	simm.s32 $0x1;
	v39 =	vadd.s32 v39, v44;
	v44 =	vshll.u32 v51, $0x2;
	v50 =	vld.idx.msk [tilespmem:v56+s14+$0x0], $0xffff  }
0x14e: {  	s11 =	sand.u32 $0xF00, s6;
	s9 =	sadd.s32 $0xFFFFFFD0, s13;
	s7 =	simm.s32 @!p1 $0x0;
	v39 =	vadd.s32 v39, v40;
	v44 =	vadd.s32 v44, v48;
	v30 =	vadd.s32 v30, v38;
	v40 =	vld.idx.msk [tilespmem:v57+s14+$0x0], $0xffff  }
0x14f: {  	s9 =	sand.u32 $0x40, s9;
	s7 =	sshll.u32 s7, $0x6;
	s19 =	sor.u32 $0xB000, s11;
	v38 =	vadd.s32 v44, v43;
	v30 =	vshll.u32 v30, $0x4;
	v41 =	vshll.u32 v41, $0x3;
	v43 =	vld.idx.msk [tilespmem:v58+s14+$0x0], $0xffff  }
0x150: {  	v28 =	vadd.s32 v29, v28;
	v21 =	vshll.u32 v21, $0x2;
	s1 =	sadd.s32 s6, s1;
	s7 =	sadd.s32 s7, s6;
	s9 =	sor.u32 s9, s19;
	v45 =	vshll.u32 v45, $0x2;
	v44 =	vld.idx.msk [tilespmem:v60+s14+$0x0], $0xffff  }
0x151: {  	v24 =	vshll.u32 v24, $0x1;
	v21 =	vadd.s32 v21, v27;
	s3 =	sadd.s32 s6, s3;
	s7 =	sor.u32 $0x80, s7;
	v41 =	vadd.s32 v45, v41;
	[tilespmem:s9+$0x0] =	vst v46;
	s9 =	sadd.s32 $0xFFFFFFE0, s13;
	v29 =	vld.idx.msk [tilespmem:v61+s14+$0x0], $0xffff  }
0x152: {  	v25 =	vadd.s32 v28, v25;
	v23 =	vshll.u32 v23, $0x1;
	s3 =	sadd.s32 $0x20, s3;
	s11 =	sadd.s32 $0xFFFFFFF0, s13;
	v30 =	vadd.s32 v41, v30;
	[tilespmem:s7+$0xB000] =	vst v49;
	s7 =	sadd.s32 $0x10, s1;
	v45 =	vld.idx.msk [tilespmem:v37+s14+$0x0], $0xffff  }
0x153: {  	v20 =	vadd.s32 v21, v20;
	v21 =	vshll.u32 v22, $0x1;
	s20 =	sand.u32 $0x60, s11;
	v27 =	vshll.u32 v50, $0x1;
	s16 =	sand.u32 $0x50, s9;
	s1 =	sadd.s32 $0x30, s1;
	v28 =	vld.idx.msk [tilespmem:v34+s14+$0x0], $0xffff  }
0x154: {  	s9 =	sor.u32 $0x80, s3;
	s3 =	sand.u32 $0x70, s13;
	s11 =	sor.u32 $0x80, s7;
	v40 =	vshll.u32 v40, $0x1;
	v34 =	vadd.s32 v24, v26;
	v22 =	vld.idx.msk [tilespmem:v33+s14+$0x0], $0xffff;
	v33 =	vadd.s32 v23, v25  }
0x155: {  	s18 =	sor.u32 s16, s19;
	s16 =	sor.u32 s20, s19;
	s7 =	sor.u32 $0x80, s1;
	v23 =	vshll.u32 v43, $0x1;
	v41 =	vor.u32 $0x1, v34;
	v26 =	vld.idx.msk [tilespmem:v31+s14+$0x0], $0xffff;
	v31 =	vadd.s32 v21, v20  }
0x156: {  	s20 =	sor.u32 s3, s19;
	v20 =	vadd.s32 v27, v44;
	v37 =	vor.u32 $0x1, v33;
	v43 =	vld.idx.msk [tilespmem:v32+s14+$0x0], $0xffff;
	v32 =	vor.u32 $0x1, v31  }
0x157: {  	v20 =	vadd.s32 v39, v20;
	v21 =	vadd.s32 v40, v29;
	v27 =	vld.idx.msk [tilespmem:v35+s14+$0x0], $0xffff  }
.Ltmp1:
0x158: {  	v29 =	vshll.u32 v20, $0x4;
	v20 =	vadd.s32 v38, v21;
	v23 =	vadd.s32 v23, v45;
	v21 =	vld.idx.msk [tilespmem:v36+s14+$0x0], $0xffff;
	(pc) =	sbr.rel @p2 .LBB2_5-.Ltmp1, $4  }
0x159: {  	v28 =	vshll.u32 v28, $0x3;
	v25 =	vshll.u32 v20, $0x4;
	v20 =	vadd.s32 v30, v23;
	v24 =	vld.idx.msk [tilespmem:v47+s14+$0x0], $0xffff  }
0x15a: {  	v22 =	vshll.u32 v22, $0x2;
	v20 =	vshll.u32 v20, $0x4;
	v23 =	vld.idx.msk [tilespmem:v42+s14+$0x0], $0xffff  }
0x15b: {  	v30 =	vadd.s32 v22, v28;
	v28 =	vshll.u32 v26, $0x3;
	v22 =	vld.idx.msk [tilespmem:v52+s14+$0x0], $0xffff  }
0x15c: {  	s8 =	sadd.s32 $0x280, s8;
	v26 =	vadd.s32 v30, v29;
	v29 =	vshll.u32 v43, $0x2;
	v35 =	vld.idx.msk [tilespmem:v41+s10+$0x0], $0xffff  }
0x15d: {  	_ =	sdelay $0x3  }
0x15e: {  	v30 =	vld.idx.msk [tilespmem:v34+s10+$0x0], $0xffff;
	v27 =	vshll.u32 v27, $0x3;
	v24 =	vshll.u32 v24, $0x1  }
0x15f: {  	v28 =	vadd.s32 v29, v28;
	v21 =	vshll.u32 v21, $0x2;
	v56 =	vld.idx.msk [tilespmem:v33+s10+$0x0], $0xffff;
	v24 =	vadd.s32 v24, v26  }
0x160: {  	v59 =	vld.idx.msk [tilespmem:v31+s10+$0x0], $0xffff;
	v25 =	vadd.s32 v28, v25;
	v23 =	vshll.u32 v23, $0x1;
	v57 =	vor.u32 $0x1, v24  }
0x161: {  	v21 =	vadd.s32 v21, v27;
	v23 =	vadd.s32 v23, v25  }
0x162: {  	v58 =	vld.idx.msk [tilespmem:v37+s10+$0x0], $0xffff;
	v20 =	vadd.s32 v21, v20;
	v60 =	vshll.u32 v22, $0x1;
	v61 =	vor.u32 $0x1, v23  }
0x163: {  	v62 =	vld.idx.msk [tilespmem:v32+s10+$0x0], $0xffff;
	v20 =	vadd.s32 v60, v20;
	[tilespmem:s30+$0x0] =	vst v30  }
0x164: {  	v21 =	vor.u32 $0x1, v20;
	[tilespmem:s29+$0x0] =	vst v56;
	v24 =	vld.idx.msk [tilespmem:v24+s10+$0x0], $0xffff  }
0x165: {  	[tilespmem:s31+$0x0] =	vst v59;
	v63 =	vld.idx.msk [tilespmem:v57+s10+$0x0], $0xffff  }
0x166: {  	[tilespmem:s26+$0xB000] =	vst v35;
	v23 =	vld.idx.msk [tilespmem:v23+s10+$0x0], $0xffff  }
0x167: {  	[tilespmem:s25+$0xB000] =	vst v58;
	v22 =	vld.idx.msk [tilespmem:v61+s10+$0x0], $0xffff  }
0x168: {  	s0 =	sadd.s32 @!p0 $0x3, s23;
	[tilespmem:s28+$0xB000] =	vst v62;
	v20 =	vld.idx.msk [tilespmem:v20+s10+$0x0], $0xffff  }
0x169: {  	s1 =	sshrl.u32 @!p0 s0, $0x3;
	v21 =	vld.idx.msk [tilespmem:v21+s10+$0x0], $0xffff;
	[tilespmem:s18+$0x0] =	vst v24  }
0x16a: {  	s0 =	sshll.u32 @!p0 s0, $0x7;
	s1 =	smul.u32 @!p0 $0x28000, s1;
	[tilespmem:s11+$0xB000] =	vst v63  }
0x16b: {  	s0 =	sand.u32 @!p0 $0x380, s0;
	[tilespmem:s16+$0x0] =	vst v23  }
0x16c: {  	s0 =	sor.u32 @!p0 s0, s1;
	[tilespmem:s9+$0xB000] =	vst v22  }
0x16d: {  	s2 =	simm.s32 @!p0 $0x400;
	s3 =	simm.s32 @!p0 $0x5000;
	s0 =	sshrl.u32 @!p0 s0, $0x3;
	[tilespmem:s20+$0x0] =	vst v20  }
0x16e: {  	s22 =	sadd.s32 $0x1, s22;
	s1 =	simm.s32 @!p0 $0x80;
	s0 =	sadd.s32 @!p0 s4, s0;
	[tilespmem:s7+$0xB000] =	vst v21  }
0x16f: {  	[tilespmem:s3], [sflag:$0x2] =	stream.strided.gather @!p0 [hbm4b:s0+s1], $0x5000, s2, s1, $0x38;
	[tilespmem:$0xC800] =	vst v63  }
0x170: {  	p0 =	sne.s32 s22, $0x40  }
.Ltmp2:
0x171: {  	_ = 	snop;
	(pc) =	sbr.rel @p0 .LBB2_2-.Ltmp2, $4  }
0x172: {  	s30 =	rddreg [dreg:$0x2]  }
0x173: {  	s0 =	sadd.s32 s24, s30  }
0x174: {  	s31 =	simm.s32 $0xB000;
	s0 =	sadd.s32 $0x200, s0  }
0x175: {  	[hbm4b:s0+s5] =	stream.linear.scatter [tilespmem:s31], [sflag:$0x4], $0x1000, $0x38;
	[tilespmem:$0xC800] =	vst v63  }
0x176: {  	s0 =	simm.s32 $0x3  }
0x177: {  	_ =	swait.ge [sflag:s0], $0x1000  }
0x178: {  	[sflag:s0] =	ssyncset.done $0x0  }
0x179: {  	s1 =	simm.s32 $0x4;
	[sflag:s0] =	ssyncadd.s32 $0xFFFFF000  }
0x17a: {  	_ =	swait.ge [sflag:s1], $0x1000  }
0x17b: {  	s2 =	rddreg [dreg:$0x9]  }
0x17c: {  	s31 =	rddreg [dreg:$0x8];
	s2 =	sadd.s32 $0x1, s2  }
0x17d: {  	p0 =	sne.s32 s2, s31  }
.Ltmp3:
0x17e: {  	_ = 	snop;
	(pc) =	sbr.rel @p0 .LBB2_1-.Ltmp3, $3  }
0x17f: {  	_ =	sdelay $0x1  }
0x180: {  	[sflag:s1] =	ssyncset.done $0x0  }
0x181: {  	[sflag:s1] =	ssyncadd.s32 $0xFFFFF000  }
0x182: {  	_ =	sfence.sel $0x180000  }
0x183: {  	[bflag:$0x0] =	sbarrier.arrive $0xFFFF  }
0x184: {  	_ =	strace $0x90000047  }
0x185: {  	s0 =	stileid.u32;
	[bflag:$0x2] =	sbarrier.arrive $0xFFFF  }
0x186: {  	p0 =	sne.s32 s0, $0x0;
	s0 =	rddreg [dreg:$0x3]  }
0x187: {  	s0 =	sadd.s32 @!p0 $0x100000, s0  }
0x188: {  	[sflag:s0] =	ssyncadd.tile.s32 @!p0 $0x1;
	_ =	shalt  }
.Lfunc_end2:
_tile_overlayer_lowered:
.L_overlay_start_2:
0x189: {  	(tag) =	ssettag $0x2  }
0x18a: {  	s0 =	rddreg [dreg:$0x0];
	s2 =	stileid.u32  }
0x18b: {  	s1 =	rddreg [dreg:$0x1];
	p0 =	sne.s32 s2, $0x0  }
0x18c: {  	s3 =	rddreg [dreg:$0x2];
	[bflag:$0x3] =	sbarrier.arrive $0xFFFF;
	s2 =	simm.s32 @!p0 $0x1C05  }
0x18d: {  	[timem:s3], [sflag:s2] =	dma.local @!p0 [hbm:s0], s1  }
0x18e: {  	s0 =	simm.s32 @!p0 $0x5  }
0x18f: {  	_ =	swait.ge @!p0 [sflag:s0], s1  }
0x190: {  	s1 =	ssub.s32 @!p0 $0x0, s1;
	[sflag:s0] =	ssyncset.done @!p0 $0x0  }
0x191: {  	[sflag:s0] =	ssyncadd.s32 @!p0 s1  }
0x192: {  	[bflag:$0x3] =	sbarrier.arrive $0xFFFF  }
0x193: {  	_ =	shalt  }

</sc_bundles>
